<compile_context>
chip_gen: v7x
topology: tpu7x:2x2x1
jax: 0.10.2.dev20260603
libtpu: 0.0.44.dev20260713+nightly
codegen_flags: <defaults>
</compile_context>

<pallas_src>
import functools

import jax
import jax.numpy as jnp
from jax import lax
from jax.experimental import pallas as pl
from jax.experimental.pallas import tpu as pltpu
from jax.experimental.pallas import tpu_sc as plsc

_COMMIT_BETA = 0.25
_ROWS = 1024
_NW = 32
_CH = 128


def _split_bf16(x):
    hi = x.astype(jnp.bfloat16)
    lo = (x - hi.astype(jnp.float32)).astype(jnp.bfloat16)
    return hi, lo


def _mm(a, b, dims):
    return jax.lax.dot_general(a, b, (dims, ((), ())),
                               preferred_element_type=jnp.float32)


def _vq_block(z_ref, cb_ref, idx_ref, loss_ref,
              cnorm_ref, ch_ref, cl_ref, lacc_ref, macc_ref):
    i = pl.program_id(0)
    nblk = pl.num_programs(0)
    z = z_ref[...]
    K = cb_ref.shape[0]
    R = z.shape[0]

    @pl.when(i == 0)
    def _():
        cb = cb_ref[...]
        ones_col = jnp.ones((cb.shape[1], 1), jnp.float32)
        cnorm_ref[...] = jax.lax.dot_general(
            cb * cb, ones_col, (((1,), (0,)), ((), ())),
            precision=jax.lax.Precision.HIGHEST,
            preferred_element_type=jnp.float32)
        hi, lo = _split_bf16(cb)
        ch_ref[...] = hi
        cl_ref[...] = lo
        lacc_ref[...] = jnp.zeros_like(lacc_ref)
        macc_ref[...] = jnp.zeros_like(macc_ref)

    c_norm = cnorm_ref[...]
    ch = ch_ref[...]
    cl = cl_ref[...]
    zh, zl = _split_bf16(z)
    cdims = ((1,), (1,))
    dotsT = (_mm(ch, zh, cdims) + _mm(ch, zl, cdims) + _mm(cl, zh, cdims))
    scoresT = c_norm - 2.0 * dotsT
    min_val = jnp.min(scoresT, axis=0)
    kiota = jax.lax.broadcasted_iota(jnp.int32, (K, R), 0)
    big = jnp.int32(2**30)
    idx = jnp.min(jnp.where(scoresT == min_val[None, :], kiota, big), axis=0)
    idx_ref[...] = idx.reshape(idx_ref.shape)
    lacc_ref[...] += jnp.sum(z * z, axis=0, keepdims=True)
    macc_ref[...] += min_val[None, :]

    @pl.when(i == nblk - 1)
    def _():
        loss_ref[...] = (jnp.sum(lacc_ref[...]) +
                         jnp.sum(macc_ref[...])).reshape(1, 1)


def _tc_argmin(zf, codebook):
    N, c = zf.shape
    K = codebook.shape[0]
    grid = N // _ROWS
    idx, loss = pl.pallas_call(
        _vq_block,
        grid=(grid,),
        in_specs=[
            pl.BlockSpec((_ROWS, c), lambda i: (i, 0)),
            pl.BlockSpec((K, c), lambda i: (0, 0)),
        ],
        out_specs=[
            pl.BlockSpec((1, 1, _ROWS), lambda i: (i, 0, 0)),
            pl.BlockSpec((1, 1), lambda i: (0, 0)),
        ],
        out_shape=[
            jax.ShapeDtypeStruct((grid, 1, _ROWS), jnp.int32),
            jax.ShapeDtypeStruct((1, 1), jnp.float32),
        ],
        scratch_shapes=[
            pltpu.VMEM((K, 1), jnp.float32),
            pltpu.VMEM((K, c), jnp.bfloat16),
            pltpu.VMEM((K, c), jnp.bfloat16),
            pltpu.VMEM((1, c), jnp.float32),
            pltpu.VMEM((1, _ROWS), jnp.float32),
        ],
    )(zf, codebook)
    return idx, loss


def _make_sc_gather(N, c):
    b_per_w = N // _NW
    nch = b_per_w // _CH
    mesh = plsc.VectorSubcoreMesh(core_axis_name="c", subcore_axis_name="s")

    @functools.partial(
        pl.kernel, mesh=mesh,
        out_type=jax.ShapeDtypeStruct((N, c), jnp.float32),
        compiler_params=pltpu.CompilerParams(use_tc_tiling_on_sc=False),
        scratch_types=[
            pltpu.VMEM((_CH,), jnp.int32),
            pltpu.VMEM((_CH, c), jnp.float32),
            pltpu.SemaphoreType.DMA,
        ],
    )
    def sc_gather(cb_hbm, idx_hbm, out_hbm, idx_v, rows_v, sem):
        wid = lax.axis_index("s") * 2 + lax.axis_index("c")
        base = wid * b_per_w
        for j in range(nch):
            off = base + j * _CH
            pltpu.sync_copy(idx_hbm.at[pl.ds(off, _CH)], idx_v)
            pltpu.async_copy(cb_hbm.at[idx_v], rows_v, sem).wait()
            pltpu.sync_copy(rows_v, out_hbm.at[pl.ds(off, _CH)])

    return sc_gather


def kernel(z, codebook):
    B, w, h, c = z.shape
    N = B * w * h
    zf = z.reshape(N, c)
    idx, loss = _tc_argmin(zf, codebook)
    idx_flat = idx.reshape(N)
    enc = _make_sc_gather(N, c)(codebook, idx_flat)
    quantized = enc.reshape(B, w, h, c)
    embedding_indexes = idx.reshape(B, w, h)
    embedding_loss = loss[0, 0] / jnp.float32(N * c)
    commitment_loss = _COMMIT_BETA * embedding_loss
    return quantized, embedding_indexes, embedding_loss, commitment_loss

# --- scband reference (transcript-rebuilt; emitter-appended) ---
"""Pipeline reference for scband-vqvae-55989193671350 (READ-ONLY COPY).

The authoritative reference and input builder live on the scoring server;
editing this copy changes nothing except your own understanding.
"""

import jax, jax.numpy as jnp
import numpy as np

BETA = 0.25

def setup_inputs(seed: int = 0) -> dict:
    key = jax.random.key(seed)
    k1, k2 = jax.random.split(key)
    z = jax.random.normal(k1, (64, 32, 32, 64), dtype=jnp.float32)
    codebook = jax.random.uniform(k2, (512, 64), dtype=jnp.float32)
    return {"z": z, "codebook": codebook}

def reference(z, codebook):
    # Faithful JAX translation of the VQ core used in VQVAE.train_step / encode:
    # flatten latents, compute L2 distance to every codebook row (the tf.tile
    # trick is mathematically identical to broadcasting), argmin, gather,
    # straight-through estimator, and the codebook/commitment losses.
    B, w, h, c = z.shape
    K = codebook.shape[0]
    encoded_flat = z.reshape(B * w * h, c)
    # diff[n, k] = sum_c (z[n, c] - codebook[k, c])^2
    diff = jnp.sum(jnp.power(encoded_flat[:, None, :] - codebook[None, :, :], 2), axis=-1)
    embedding_indexes = jnp.argmin(diff, axis=-1)
    embedding_indexes = embedding_indexes.reshape(B, w, h)
    encoding_vectors = jnp.take(codebook, embedding_indexes, axis=0)  # [B, w, h, c]
    # straight-through: decoder sees quantized vectors, encoder gets identity grad
    quantized = z + jax.lax.stop_gradient(encoding_vectors - z)
    embedding_loss = jnp.mean(jnp.power(jax.lax.stop_gradient(z) - encoding_vectors, 2))
    commitment_loss = BETA * jnp.mean(jnp.power(z - jax.lax.stop_gradient(encoding_vectors), 2))
    return quantized, embedding_indexes, embedding_loss, commitment_loss

if __name__ == "__main__":
    import jax
    _d = setup_inputs()
    print(jax.jit(kernel)(*tuple(_d.values())))

</pallas_src>

<mosaic_0001>
#map = affine_map<(d0, d1) -> (0, 0)>
#map1 = affine_map<(d0, d1) -> (0)>
module attributes {stable_mosaic.version = 14 : i64} {
  func.func @sc_gather(%arg0: i32, %arg1: i32, %arg2: memref<512x64xf32, #tpu.memory_space<hbm>>, %arg3: memref<65536xi32, #tpu.memory_space<hbm>>, %arg4: memref<65536x64xf32, #tpu.memory_space<hbm>>, %arg5: memref<128xi32, #tpu.memory_space<vmem>>, %arg6: memref<128x64xf32, #tpu.memory_space<vmem>>, %arg7: memref<!tpu.dma_semaphore, #tpu.memory_space<semaphore_mem>>) attributes {dimension_semantics = [#tpu.dimension_semantics<core_parallel>, #tpu.dimension_semantics<subcore_parallel>], iteration_bounds = array<i64: 2, 16>, scalar_prefetch = 0 : i64, scratch_operands = 3 : i64, tpu.core_type = #tpu.core_type<sc_vector_subcore>, window_params = [{transform_indices = #map}, {transform_indices = #map1}, {transform_indices = #map}]} {
    %mul3A = arith.constant 2 : i32
    %mul3A_0 = arith.muli %arg1, %mul3A : i32
    %add3A = arith.addi %mul3A_0, %arg0 : i32
    %mul3A_1 = arith.constant 2048 : i32
    %mul3A_2 = arith.muli %add3A, %mul3A_1 : i32
    %add3A_3 = arith.constant 0 : i32
    %add3A_4 = arith.addi %mul3A_2, %add3A_3 : i32
    "tpu.region"() ({
      %run_scoped3A = tpu.sem_alloc : memref<!tpu.dma_semaphore, #tpu.memory_space<semaphore_mem>>
      %dma_start3A_129 = tpu.memref_slice %arg3[%add3A_4] : memref<65536xi32, #tpu.memory_space<hbm>> -> memref<128xi32, #tpu.memory_space<hbm>>
      %dma_start3A_130 = tpu.memref_slice %arg3[%add3A_4] : memref<65536xi32, #tpu.memory_space<hbm>> -> memref<128xi32, #tpu.memory_space<hbm>>
      tpu.enqueue_dma source(%dma_start3A_130 : memref<128xi32, #tpu.memory_space<hbm>>) target(%arg5 : memref<128xi32, #tpu.memory_space<vmem>>) target_semaphore(%run_scoped3A : memref<!tpu.dma_semaphore, #tpu.memory_space<semaphore_mem>>)
      %dma_wait3A_131 = tpu.memref_slice %arg3[%add3A_4] : memref<65536xi32, #tpu.memory_space<hbm>> -> memref<128xi32, #tpu.memory_space<hbm>>
      %dma_wait3A_132 = tpu.memref_slice %arg3[%add3A_4] : memref<65536xi32, #tpu.memory_space<hbm>> -> memref<128xi32, #tpu.memory_space<hbm>>
      tpu.wait_dma2 semaphore(%run_scoped3A : memref<!tpu.dma_semaphore, #tpu.memory_space<semaphore_mem>>) src(%dma_wait3A_132 : memref<128xi32, #tpu.memory_space<hbm>>) dst(%arg5 : memref<128xi32, #tpu.memory_space<vmem>>)
      tpu.yield
    }) : () -> ()
    %dma_start3A = arith.constant 0 : i32
    %dma_start3A_5 = arith.constant 0 : i32
    %dma_start3A_6 = tpu.memref_slice %arg2[%dma_start3A, %dma_start3A_5] : memref<512x64xf32, #tpu.memory_space<hbm>> -> memref<512x64xf32, #tpu.memory_space<hbm>>
    tpu.enqueue_indirect_dma source(%dma_start3A_6 : memref<512x64xf32, #tpu.memory_space<hbm>>) target(%arg6 : memref<128x64xf32, #tpu.memory_space<vmem>>) offsets(%arg5 : memref<128xi32, #tpu.memory_space<vmem>>) semaphore(%arg7 : memref<!tpu.dma_semaphore, #tpu.memory_space<semaphore_mem>>)
    %dma_wait3A = arith.constant 0 : i32
    %dma_wait3A_7 = arith.constant 0 : i32
    %dma_wait3A_8 = tpu.memref_slice %arg2[%dma_wait3A, %dma_wait3A_7] : memref<512x64xf32, #tpu.memory_space<hbm>> -> memref<512x64xf32, #tpu.memory_space<hbm>>
    tpu.wait_indirect_dma semaphore(%arg7 : memref<!tpu.dma_semaphore, #tpu.memory_space<semaphore_mem>>) src(%dma_wait3A_8 : memref<512x64xf32, #tpu.memory_space<hbm>>) dst(%arg6 : memref<128x64xf32, #tpu.memory_space<vmem>>)
    "tpu.region"() ({
      %run_scoped3A = tpu.sem_alloc : memref<!tpu.dma_semaphore, #tpu.memory_space<semaphore_mem>>
      %dma_start3A_129 = arith.constant 0 : i32
      %dma_start3A_130 = tpu.memref_slice %arg4[%add3A_4, %dma_start3A_129] : memref<65536x64xf32, #tpu.memory_space<hbm>> -> memref<128x64xf32, #tpu.memory_space<hbm>>
      %dma_start3A_131 = arith.constant 0 : i32
      %dma_start3A_132 = tpu.memref_slice %arg4[%add3A_4, %dma_start3A_131] : memref<65536x64xf32, #tpu.memory_space<hbm>> -> memref<128x64xf32, #tpu.memory_space<hbm>>
      tpu.enqueue_dma source(%arg6 : memref<128x64xf32, #tpu.memory_space<vmem>>) target(%dma_start3A_132 : memref<128x64xf32, #tpu.memory_space<hbm>>) target_semaphore(%run_scoped3A : memref<!tpu.dma_semaphore, #tpu.memory_space<semaphore_mem>>)
      %dma_wait3A_133 = arith.constant 0 : i32
      %dma_wait3A_134 = tpu.memref_slice %arg4[%add3A_4, %dma_wait3A_133] : memref<65536x64xf32, #tpu.memory_space<hbm>> -> memref<128x64xf32, #tpu.memory_space<hbm>>
      %dma_wait3A_135 = arith.constant 0 : i32
      %dma_wait3A_136 = tpu.memref_slice %arg4[%add3A_4, %dma_wait3A_135] : memref<65536x64xf32, #tpu.memory_space<hbm>> -> memref<128x64xf32, #tpu.memory_space<hbm>>
      tpu.wait_dma2 semaphore(%run_scoped3A : memref<!tpu.dma_semaphore, #tpu.memory_space<semaphore_mem>>) src(%arg6 : memref<128x64xf32, #tpu.memory_space<vmem>>) dst(%dma_wait3A_136 : memref<128x64xf32, #tpu.memory_space<hbm>>)
      tpu.yield
    }) : () -> ()
    %add3A_9 = arith.constant 128 : i32
    %add3A_10 = arith.addi %mul3A_2, %add3A_9 : i32
    "tpu.region"() ({
      %run_scoped3A = tpu.sem_alloc : memref<!tpu.dma_semaphore, #tpu.memory_space<semaphore_mem>>
      %dma_start3A_129 = tpu.memref_slice %arg3[%add3A_10] : memref<65536xi32, #tpu.memory_space<hbm>> -> memref<128xi32, #tpu.memory_space<hbm>>
      %dma_start3A_130 = tpu.memref_slice %arg3[%add3A_10] : memref<65536xi32, #tpu.memory_space<hbm>> -> memref<128xi32, #tpu.memory_space<hbm>>
      tpu.enqueue_dma source(%dma_start3A_130 : memref<128xi32, #tpu.memory_space<hbm>>) target(%arg5 : memref<128xi32, #tpu.memory_space<vmem>>) target_semaphore(%run_scoped3A : memref<!tpu.dma_semaphore, #tpu.memory_space<semaphore_mem>>)
      %dma_wait3A_131 = tpu.memref_slice %arg3[%add3A_10] : memref<65536xi32, #tpu.memory_space<hbm>> -> memref<128xi32, #tpu.memory_space<hbm>>
      %dma_wait3A_132 = tpu.memref_slice %arg3[%add3A_10] : memref<65536xi32, #tpu.memory_space<hbm>> -> memref<128xi32, #tpu.memory_space<hbm>>
      tpu.wait_dma2 semaphore(%run_scoped3A : memref<!tpu.dma_semaphore, #tpu.memory_space<semaphore_mem>>) src(%dma_wait3A_132 : memref<128xi32, #tpu.memory_space<hbm>>) dst(%arg5 : memref<128xi32, #tpu.memory_space<vmem>>)
      tpu.yield
    }) : () -> ()
    %dma_start3A_11 = arith.constant 0 : i32
    %dma_start3A_12 = arith.constant 0 : i32
    %dma_start3A_13 = tpu.memref_slice %arg2[%dma_start3A_11, %dma_start3A_12] : memref<512x64xf32, #tpu.memory_space<hbm>> -> memref<512x64xf32, #tpu.memory_space<hbm>>
    tpu.enqueue_indirect_dma source(%dma_start3A_13 : memref<512x64xf32, #tpu.memory_space<hbm>>) target(%arg6 : memref<128x64xf32, #tpu.memory_space<vmem>>) offsets(%arg5 : memref<128xi32, #tpu.memory_space<vmem>>) semaphore(%arg7 : memref<!tpu.dma_semaphore, #tpu.memory_space<semaphore_mem>>)
    %dma_wait3A_14 = arith.constant 0 : i32
    %dma_wait3A_15 = arith.constant 0 : i32
    %dma_wait3A_16 = tpu.memref_slice %arg2[%dma_wait3A_14, %dma_wait3A_15] : memref<512x64xf32, #tpu.memory_space<hbm>> -> memref<512x64xf32, #tpu.memory_space<hbm>>
    tpu.wait_indirect_dma semaphore(%arg7 : memref<!tpu.dma_semaphore, #tpu.memory_space<semaphore_mem>>) src(%dma_wait3A_16 : memref<512x64xf32, #tpu.memory_space<hbm>>) dst(%arg6 : memref<128x64xf32, #tpu.memory_space<vmem>>)
    "tpu.region"() ({
      %run_scoped3A = tpu.sem_alloc : memref<!tpu.dma_semaphore, #tpu.memory_space<semaphore_mem>>
      %dma_start3A_129 = arith.constant 0 : i32
      %dma_start3A_130 = tpu.memref_slice %arg4[%add3A_10, %dma_start3A_129] : memref<65536x64xf32, #tpu.memory_space<hbm>> -> memref<128x64xf32, #tpu.memory_space<hbm>>
      %dma_start3A_131 = arith.constant 0 : i32
      %dma_start3A_132 = tpu.memref_slice %arg4[%add3A_10, %dma_start3A_131] : memref<65536x64xf32, #tpu.memory_space<hbm>> -> memref<128x64xf32, #tpu.memory_space<hbm>>
      tpu.enqueue_dma source(%arg6 : memref<128x64xf32, #tpu.memory_space<vmem>>) target(%dma_start3A_132 : memref<128x64xf32, #tpu.memory_space<hbm>>) target_semaphore(%run_scoped3A : memref<!tpu.dma_semaphore, #tpu.memory_space<semaphore_mem>>)
      %dma_wait3A_133 = arith.constant 0 : i32
      %dma_wait3A_134 = tpu.memref_slice %arg4[%add3A_10, %dma_wait3A_133] : memref<65536x64xf32, #tpu.memory_space<hbm>> -> memref<128x64xf32, #tpu.memory_space<hbm>>
      %dma_wait3A_135 = arith.constant 0 : i32
      %dma_wait3A_136 = tpu.memref_slice %arg4[%add3A_10, %dma_wait3A_135] : memref<65536x64xf32, #tpu.memory_space<hbm>> -> memref<128x64xf32, #tpu.memory_space<hbm>>
      tpu.wait_dma2 semaphore(%run_scoped3A : memref<!tpu.dma_semaphore, #tpu.memory_space<semaphore_mem>>) src(%arg6 : memref<128x64xf32, #tpu.memory_space<vmem>>) dst(%dma_wait3A_136 : memref<128x64xf32, #tpu.memory_space<hbm>>)
      tpu.yield
    }) : () -> ()
    %add3A_17 = arith.constant 256 : i32
    %add3A_18 = arith.addi %mul3A_2, %add3A_17 : i32
    "tpu.region"() ({
      %run_scoped3A = tpu.sem_alloc : memref<!tpu.dma_semaphore, #tpu.memory_space<semaphore_mem>>
      %dma_start3A_129 = tpu.memref_slice %arg3[%add3A_18] : memref<65536xi32, #tpu.memory_space<hbm>> -> memref<128xi32, #tpu.memory_space<hbm>>
      %dma_start3A_130 = tpu.memref_slice %arg3[%add3A_18] : memref<65536xi32, #tpu.memory_space<hbm>> -> memref<128xi32, #tpu.memory_space<hbm>>
      tpu.enqueue_dma source(%dma_start3A_130 : memref<128xi32, #tpu.memory_space<hbm>>) target(%arg5 : memref<128xi32, #tpu.memory_space<vmem>>) target_semaphore(%run_scoped3A : memref<!tpu.dma_semaphore, #tpu.memory_space<semaphore_mem>>)
      %dma_wait3A_131 = tpu.memref_slice %arg3[%add3A_18] : memref<65536xi32, #tpu.memory_space<hbm>> -> memref<128xi32, #tpu.memory_space<hbm>>
      %dma_wait3A_132 = tpu.memref_slice %arg3[%add3A_18] : memref<65536xi32, #tpu.memory_space<hbm>> -> memref<128xi32, #tpu.memory_space<hbm>>
      tpu.wait_dma2 semaphore(%run_scoped3A : memref<!tpu.dma_semaphore, #tpu.memory_space<semaphore_mem>>) src(%dma_wait3A_132 : memref<128xi32, #tpu.memory_space<hbm>>) dst(%arg5 : memref<128xi32, #tpu.memory_space<vmem>>)
      tpu.yield
    }) : () -> ()
    %dma_start3A_19 = arith.constant 0 : i32
    %dma_start3A_20 = arith.constant 0 : i32
    %dma_start3A_21 = tpu.memref_slice %arg2[%dma_start3A_19, %dma_start3A_20] : memref<512x64xf32, #tpu.memory_space<hbm>> -> memref<512x64xf32, #tpu.memory_space<hbm>>
    tpu.enqueue_indirect_dma source(%dma_start3A_21 : memref<512x64xf32, #tpu.memory_space<hbm>>) target(%arg6 : memref<128x64xf32, #tpu.memory_space<vmem>>) offsets(%arg5 : memref<128xi32, #tpu.memory_space<vmem>>) semaphore(%arg7 : memref<!tpu.dma_semaphore, #tpu.memory_space<semaphore_mem>>)
    %dma_wait3A_22 = arith.constant 0 : i32
    %dma_wait3A_23 = arith.constant 0 : i32
    %dma_wait3A_24 = tpu.memref_slice %arg2[%dma_wait3A_22, %dma_wait3A_23] : memref<512x64xf32, #tpu.memory_space<hbm>> -> memref<512x64xf32, #tpu.memory_space<hbm>>
    tpu.wait_indirect_dma semaphore(%arg7 : memref<!tpu.dma_semaphore, #tpu.memory_space<semaphore_mem>>) src(%dma_wait3A_24 : memref<512x64xf32, #tpu.memory_space<hbm>>) dst(%arg6 : memref<128x64xf32, #tpu.memory_space<vmem>>)
    "tpu.region"() ({
      %run_scoped3A = tpu.sem_alloc : memref<!tpu.dma_semaphore, #tpu.memory_space<semaphore_mem>>
      %dma_start3A_129 = arith.constant 0 : i32
      %dma_start3A_130 = tpu.memref_slice %arg4[%add3A_18, %dma_start3A_129] : memref<65536x64xf32, #tpu.memory_space<hbm>> -> memref<128x64xf32, #tpu.memory_space<hbm>>
      %dma_start3A_131 = arith.constant 0 : i32
      %dma_start3A_132 = tpu.memref_slice %arg4[%add3A_18, %dma_start3A_131] : memref<65536x64xf32, #tpu.memory_space<hbm>> -> memref<128x64xf32, #tpu.memory_space<hbm>>
      tpu.enqueue_dma source(%arg6 : memref<128x64xf32, #tpu.memory_space<vmem>>) target(%dma_start3A_132 : memref<128x64xf32, #tpu.memory_space<hbm>>) target_semaphore(%run_scoped3A : memref<!tpu.dma_semaphore, #tpu.memory_space<semaphore_mem>>)
      %dma_wait3A_133 = arith.constant 0 : i32
      %dma_wait3A_134 = tpu.memref_slice %arg4[%add3A_18, %dma_wait3A_133] : memref<65536x64xf32, #tpu.memory_space<hbm>> -> memref<128x64xf32, #tpu.memory_space<hbm>>
      %dma_wait3A_135 = arith.constant 0 : i32
      %dma_wait3A_136 = tpu.memref_slice %arg4[%add3A_18, %dma_wait3A_135] : memref<65536x64xf32, #tpu.memory_space<hbm>> -> memref<128x64xf32, #tpu.memory_space<hbm>>
      tpu.wait_dma2 semaphore(%run_scoped3A : memref<!tpu.dma_semaphore, #tpu.memory_space<semaphore_mem>>) src(%arg6 : memref<128x64xf32, #tpu.memory_space<vmem>>) dst(%dma_wait3A_136 : memref<128x64xf32, #tpu.memory_space<hbm>>)
      tpu.yield
    }) : () -> ()
    %add3A_25 = arith.constant 384 : i32
    %add3A_26 = arith.addi %mul3A_2, %add3A_25 : i32
    "tpu.region"() ({
      %run_scoped3A = tpu.sem_alloc : memref<!tpu.dma_semaphore, #tpu.memory_space<semaphore_mem>>
      %dma_start3A_129 = tpu.memref_slice %arg3[%add3A_26] : memref<65536xi32, #tpu.memory_space<hbm>> -> memref<128xi32, #tpu.memory_space<hbm>>
      %dma_start3A_130 = tpu.memref_slice %arg3[%add3A_26] : memref<65536xi32, #tpu.memory_space<hbm>> -> memref<128xi32, #tpu.memory_space<hbm>>
      tpu.enqueue_dma source(%dma_start3A_130 : memref<128xi32, #tpu.memory_space<hbm>>) target(%arg5 : memref<128xi32, #tpu.memory_space<vmem>>) target_semaphore(%run_scoped3A : memref<!tpu.dma_semaphore, #tpu.memory_space<semaphore_mem>>)
      %dma_wait3A_131 = tpu.memref_slice %arg3[%add3A_26] : memref<65536xi32, #tpu.memory_space<hbm>> -> memref<128xi32, #tpu.memory_space<hbm>>
      %dma_wait3A_132 = tpu.memref_slice %arg3[%add3A_26] : memref<65536xi32, #tpu.memory_space<hbm>> -> memref<128xi32, #tpu.memory_space<hbm>>
      tpu.wait_dma2 semaphore(%run_scoped3A : memref<!tpu.dma_semaphore, #tpu.memory_space<semaphore_mem>>) src(%dma_wait3A_132 : memref<128xi32, #tpu.memory_space<hbm>>) dst(%arg5 : memref<128xi32, #tpu.memory_space<vmem>>)
      tpu.yield
    }) : () -> ()
    %dma_start3A_27 = arith.constant 0 : i32
    %dma_start3A_28 = arith.constant 0 : i32
    %dma_start3A_29 = tpu.memref_slice %arg2[%dma_start3A_27, %dma_start3A_28] : memref<512x64xf32, #tpu.memory_space<hbm>> -> memref<512x64xf32, #tpu.memory_space<hbm>>
    tpu.enqueue_indirect_dma source(%dma_start3A_29 : memref<512x64xf32, #tpu.memory_space<hbm>>) target(%arg6 : memref<128x64xf32, #tpu.memory_space<vmem>>) offsets(%arg5 : memref<128xi32, #tpu.memory_space<vmem>>) semaphore(%arg7 : memref<!tpu.dma_semaphore, #tpu.memory_space<semaphore_mem>>)
    %dma_wait3A_30 = arith.constant 0 : i32
    %dma_wait3A_31 = arith.constant 0 : i32
    %dma_wait3A_32 = tpu.memref_slice %arg2[%dma_wait3A_30, %dma_wait3A_31] : memref<512x64xf32, #tpu.memory_space<hbm>> -> memref<512x64xf32, #tpu.memory_space<hbm>>
    tpu.wait_indirect_dma semaphore(%arg7 : memref<!tpu.dma_semaphore, #tpu.memory_space<semaphore_mem>>) src(%dma_wait3A_32 : memref<512x64xf32, #tpu.memory_space<hbm>>) dst(%arg6 : memref<128x64xf32, #tpu.memory_space<vmem>>)
    "tpu.region"() ({
      %run_scoped3A = tpu.sem_alloc : memref<!tpu.dma_semaphore, #tpu.memory_space<semaphore_mem>>
      %dma_start3A_129 = arith.constant 0 : i32
      %dma_start3A_130 = tpu.memref_slice %arg4[%add3A_26, %dma_start3A_129] : memref<65536x64xf32, #tpu.memory_space<hbm>> -> memref<128x64xf32, #tpu.memory_space<hbm>>
      %dma_start3A_131 = arith.constant 0 : i32
      %dma_start3A_132 = tpu.memref_slice %arg4[%add3A_26, %dma_start3A_131] : memref<65536x64xf32, #tpu.memory_space<hbm>> -> memref<128x64xf32, #tpu.memory_space<hbm>>
      tpu.enqueue_dma source(%arg6 : memref<128x64xf32, #tpu.memory_space<vmem>>) target(%dma_start3A_132 : memref<128x64xf32, #tpu.memory_space<hbm>>) target_semaphore(%run_scoped3A : memref<!tpu.dma_semaphore, #tpu.memory_space<semaphore_mem>>)
      %dma_wait3A_133 = arith.constant 0 : i32
      %dma_wait3A_134 = tpu.memref_slice %arg4[%add3A_26, %dma_wait3A_133] : memref<65536x64xf32, #tpu.memory_space<hbm>> -> memref<128x64xf32, #tpu.memory_space<hbm>>
      %dma_wait3A_135 = arith.constant 0 : i32
      %dma_wait3A_136 = tpu.memref_slice %arg4[%add3A_26, %dma_wait3A_135] : memref<65536x64xf32, #tpu.memory_space<hbm>> -> memref<128x64xf32, #tpu.memory_space<hbm>>
      tpu.wait_dma2 semaphore(%run_scoped3A : memref<!tpu.dma_semaphore, #tpu.memory_space<semaphore_mem>>) src(%arg6 : memref<128x64xf32, #tpu.memory_space<vmem>>) dst(%dma_wait3A_136 : memref<128x64xf32, #tpu.memory_space<hbm>>)
      tpu.yield
    }) : () -> ()
    %add3A_33 = arith.constant 512 : i32
    %add3A_34 = arith.addi %mul3A_2, %add3A_33 : i32
    "tpu.region"() ({
      %run_scoped3A = tpu.sem_alloc : memref<!tpu.dma_semaphore, #tpu.memory_space<semaphore_mem>>
      %dma_start3A_129 = tpu.memref_slice %arg3[%add3A_34] : memref<65536xi32, #tpu.memory_space<hbm>> -> memref<128xi32, #tpu.memory_space<hbm>>
      %dma_start3A_130 = tpu.memref_slice %arg3[%add3A_34] : memref<65536xi32, #tpu.memory_space<hbm>> -> memref<128xi32, #tpu.memory_space<hbm>>
      tpu.enqueue_dma source(%dma_start3A_130 : memref<128xi32, #tpu.memory_space<hbm>>) target(%arg5 : memref<128xi32, #tpu.memory_space<vmem>>) target_semaphore(%run_scoped3A : memref<!tpu.dma_semaphore, #tpu.memory_space<semaphore_mem>>)
      %dma_wait3A_131 = tpu.memref_slice %arg3[%add3A_34] : memref<65536xi32, #tpu.memory_space<hbm>> -> memref<128xi32, #tpu.memory_space<hbm>>
      %dma_wait3A_132 = tpu.memref_slice %arg3[%add3A_34] : memref<65536xi32, #tpu.memory_space<hbm>> -> memref<128xi32, #tpu.memory_space<hbm>>
      tpu.wait_dma2 semaphore(%run_scoped3A : memref<!tpu.dma_semaphore, #tpu.memory_space<semaphore_mem>>) src(%dma_wait3A_132 : memref<128xi32, #tpu.memory_space<hbm>>) dst(%arg5 : memref<128xi32, #tpu.memory_space<vmem>>)
      tpu.yield
    }) : () -> ()
    %dma_start3A_35 = arith.constant 0 : i32
    %dma_start3A_36 = arith.constant 0 : i32
    %dma_start3A_37 = tpu.memref_slice %arg2[%dma_start3A_35, %dma_start3A_36] : memref<512x64xf32, #tpu.memory_space<hbm>> -> memref<512x64xf32, #tpu.memory_space<hbm>>
    tpu.enqueue_indirect_dma source(%dma_start3A_37 : memref<512x64xf32, #tpu.memory_space<hbm>>) target(%arg6 : memref<128x64xf32, #tpu.memory_space<vmem>>) offsets(%arg5 : memref<128xi32, #tpu.memory_space<vmem>>) semaphore(%arg7 : memref<!tpu.dma_semaphore, #tpu.memory_space<semaphore_mem>>)
    %dma_wait3A_38 = arith.constant 0 : i32
    %dma_wait3A_39 = arith.constant 0 : i32
    %dma_wait3A_40 = tpu.memref_slice %arg2[%dma_wait3A_38, %dma_wait3A_39] : memref<512x64xf32, #tpu.memory_space<hbm>> -> memref<512x64xf32, #tpu.memory_space<hbm>>
    tpu.wait_indirect_dma semaphore(%arg7 : memref<!tpu.dma_semaphore, #tpu.memory_space<semaphore_mem>>) src(%dma_wait3A_40 : memref<512x64xf32, #tpu.memory_space<hbm>>) dst(%arg6 : memref<128x64xf32, #tpu.memory_space<vmem>>)
    "tpu.region"() ({
      %run_scoped3A = tpu.sem_alloc : memref<!tpu.dma_semaphore, #tpu.memory_space<semaphore_mem>>
      %dma_start3A_129 = arith.constant 0 : i32
      %dma_start3A_130 = tpu.memref_slice %arg4[%add3A_34, %dma_start3A_129] : memref<65536x64xf32, #tpu.memory_space<hbm>> -> memref<128x64xf32, #tpu.memory_space<hbm>>
      %dma_start3A_131 = arith.constant 0 : i32
      %dma_start3A_132 = tpu.memref_slice %arg4[%add3A_34, %dma_start3A_131] : memref<65536x64xf32, #tpu.memory_space<hbm>> -> memref<128x64xf32, #tpu.memory_space<hbm>>
      tpu.enqueue_dma source(%arg6 : memref<128x64xf32, #tpu.memory_space<vmem>>) target(%dma_start3A_132 : memref<128x64xf32, #tpu.memory_space<hbm>>) target_semaphore(%run_scoped3A : memref<!tpu.dma_semaphore, #tpu.memory_space<semaphore_mem>>)
      %dma_wait3A_133 = arith.constant 0 : i32
      %dma_wait3A_134 = tpu.memref_slice %arg4[%add3A_34, %dma_wait3A_133] : memref<65536x64xf32, #tpu.memory_space<hbm>> -> memref<128x64xf32, #tpu.memory_space<hbm>>
      %dma_wait3A_135 = arith.constant 0 : i32
      %dma_wait3A_136 = tpu.memref_slice %arg4[%add3A_34, %dma_wait3A_135] : memref<65536x64xf32, #tpu.memory_space<hbm>> -> memref<128x64xf32, #tpu.memory_space<hbm>>
      tpu.wait_dma2 semaphore(%run_scoped3A : memref<!tpu.dma_semaphore, #tpu.memory_space<semaphore_mem>>) src(%arg6 : memref<128x64xf32, #tpu.memory_space<vmem>>) dst(%dma_wait3A_136 : memref<128x64xf32, #tpu.memory_space<hbm>>)
      tpu.yield
    }) : () -> ()
    %add3A_41 = arith.constant 640 : i32
    %add3A_42 = arith.addi %mul3A_2, %add3A_41 : i32
    "tpu.region"() ({
      %run_scoped3A = tpu.sem_alloc : memref<!tpu.dma_semaphore, #tpu.memory_space<semaphore_mem>>
      %dma_start3A_129 = tpu.memref_slice %arg3[%add3A_42] : memref<65536xi32, #tpu.memory_space<hbm>> -> memref<128xi32, #tpu.memory_space<hbm>>
      %dma_start3A_130 = tpu.memref_slice %arg3[%add3A_42] : memref<65536xi32, #tpu.memory_space<hbm>> -> memref<128xi32, #tpu.memory_space<hbm>>
      tpu.enqueue_dma source(%dma_start3A_130 : memref<128xi32, #tpu.memory_space<hbm>>) target(%arg5 : memref<128xi32, #tpu.memory_space<vmem>>) target_semaphore(%run_scoped3A : memref<!tpu.dma_semaphore, #tpu.memory_space<semaphore_mem>>)
      %dma_wait3A_131 = tpu.memref_slice %arg3[%add3A_42] : memref<65536xi32, #tpu.memory_space<hbm>> -> memref<128xi32, #tpu.memory_space<hbm>>
      %dma_wait3A_132 = tpu.memref_slice %arg3[%add3A_42] : memref<65536xi32, #tpu.memory_space<hbm>> -> memref<128xi32, #tpu.memory_space<hbm>>
      tpu.wait_dma2 semaphore(%run_scoped3A : memref<!tpu.dma_semaphore, #tpu.memory_space<semaphore_mem>>) src(%dma_wait3A_132 : memref<128xi32, #tpu.memory_space<hbm>>) dst(%arg5 : memref<128xi32, #tpu.memory_space<vmem>>)
      tpu.yield
    }) : () -> ()
    %dma_start3A_43 = arith.constant 0 : i32
    %dma_start3A_44 = arith.constant 0 : i32
    %dma_start3A_45 = tpu.memref_slice %arg2[%dma_start3A_43, %dma_start3A_44] : memref<512x64xf32, #tpu.memory_space<hbm>> -> memref<512x64xf32, #tpu.memory_space<hbm>>
    tpu.enqueue_indirect_dma source(%dma_start3A_45 : memref<512x64xf32, #tpu.memory_space<hbm>>) target(%arg6 : memref<128x64xf32, #tpu.memory_space<vmem>>) offsets(%arg5 : memref<128xi32, #tpu.memory_space<vmem>>) semaphore(%arg7 : memref<!tpu.dma_semaphore, #tpu.memory_space<semaphore_mem>>)
    %dma_wait3A_46 = arith.constant 0 : i32
    %dma_wait3A_47 = arith.constant 0 : i32
    %dma_wait3A_48 = tpu.memref_slice %arg2[%dma_wait3A_46, %dma_wait3A_47] : memref<512x64xf32, #tpu.memory_space<hbm>> -> memref<512x64xf32, #tpu.memory_space<hbm>>
    tpu.wait_indirect_dma semaphore(%arg7 : memref<!tpu.dma_semaphore, #tpu.memory_space<semaphore_mem>>) src(%dma_wait3A_48 : memref<512x64xf32, #tpu.memory_space<hbm>>) dst(%arg6 : memref<128x64xf32, #tpu.memory_space<vmem>>)
    "tpu.region"() ({
      %run_scoped3A = tpu.sem_alloc : memref<!tpu.dma_semaphore, #tpu.memory_space<semaphore_mem>>
      %dma_start3A_129 = arith.constant 0 : i32
      %dma_start3A_130 = tpu.memref_slice %arg4[%add3A_42, %dma_start3A_129] : memref<65536x64xf32, #tpu.memory_space<hbm>> -> memref<128x64xf32, #tpu.memory_space<hbm>>
      %dma_start3A_131 = arith.constant 0 : i32
      %dma_start3A_132 = tpu.memref_slice %arg4[%add3A_42, %dma_start3A_131] : memref<65536x64xf32, #tpu.memory_space<hbm>> -> memref<128x64xf32, #tpu.memory_space<hbm>>
      tpu.enqueue_dma source(%arg6 : memref<128x64xf32, #tpu.memory_space<vmem>>) target(%dma_start3A_132 : memref<128x64xf32, #tpu.memory_space<hbm>>) target_semaphore(%run_scoped3A : memref<!tpu.dma_semaphore, #tpu.memory_space<semaphore_mem>>)
      %dma_wait3A_133 = arith.constant 0 : i32
      %dma_wait3A_134 = tpu.memref_slice %arg4[%add3A_42, %dma_wait3A_133] : memref<65536x64xf32, #tpu.memory_space<hbm>> -> memref<128x64xf32, #tpu.memory_space<hbm>>
      %dma_wait3A_135 = arith.constant 0 : i32
      %dma_wait3A_136 = tpu.memref_slice %arg4[%add3A_42, %dma_wait3A_135] : memref<65536x64xf32, #tpu.memory_space<hbm>> -> memref<128x64xf32, #tpu.memory_space<hbm>>
      tpu.wait_dma2 semaphore(%run_scoped3A : memref<!tpu.dma_semaphore, #tpu.memory_space<semaphore_mem>>) src(%arg6 : memref<128x64xf32, #tpu.memory_space<vmem>>) dst(%dma_wait3A_136 : memref<128x64xf32, #tpu.memory_space<hbm>>)
      tpu.yield
    }) : () -> ()
    %add3A_49 = arith.constant 768 : i32
    %add3A_50 = arith.addi %mul3A_2, %add3A_49 : i32
    "tpu.region"() ({
      %run_scoped3A = tpu.sem_alloc : memref<!tpu.dma_semaphore, #tpu.memory_space<semaphore_mem>>
      %dma_start3A_129 = tpu.memref_slice %arg3[%add3A_50] : memref<65536xi32, #tpu.memory_space<hbm>> -> memref<128xi32, #tpu.memory_space<hbm>>
      %dma_start3A_130 = tpu.memref_slice %arg3[%add3A_50] : memref<65536xi32, #tpu.memory_space<hbm>> -> memref<128xi32, #tpu.memory_space<hbm>>
      tpu.enqueue_dma source(%dma_start3A_130 : memref<128xi32, #tpu.memory_space<hbm>>) target(%arg5 : memref<128xi32, #tpu.memory_space<vmem>>) target_semaphore(%run_scoped3A : memref<!tpu.dma_semaphore, #tpu.memory_space<semaphore_mem>>)
      %dma_wait3A_131 = tpu.memref_slice %arg3[%add3A_50] : memref<65536xi32, #tpu.memory_space<hbm>> -> memref<128xi32, #tpu.memory_space<hbm>>
      %dma_wait3A_132 = tpu.memref_slice %arg3[%add3A_50] : memref<65536xi32, #tpu.memory_space<hbm>> -> memref<128xi32, #tpu.memory_space<hbm>>
      tpu.wait_dma2 semaphore(%run_scoped3A : memref<!tpu.dma_semaphore, #tpu.memory_space<semaphore_mem>>) src(%dma_wait3A_132 : memref<128xi32, #tpu.memory_space<hbm>>) dst(%arg5 : memref<128xi32, #tpu.memory_space<vmem>>)
      tpu.yield
    }) : () -> ()
    %dma_start3A_51 = arith.constant 0 : i32
    %dma_start3A_52 = arith.constant 0 : i32
    %dma_start3A_53 = tpu.memref_slice %arg2[%dma_start3A_51, %dma_start3A_52] : memref<512x64xf32, #tpu.memory_space<hbm>> -> memref<512x64xf32, #tpu.memory_space<hbm>>
    tpu.enqueue_indirect_dma source(%dma_start3A_53 : memref<512x64xf32, #tpu.memory_space<hbm>>) target(%arg6 : memref<128x64xf32, #tpu.memory_space<vmem>>) offsets(%arg5 : memref<128xi32, #tpu.memory_space<vmem>>) semaphore(%arg7 : memref<!tpu.dma_semaphore, #tpu.memory_space<semaphore_mem>>)
    %dma_wait3A_54 = arith.constant 0 : i32
    %dma_wait3A_55 = arith.constant 0 : i32
    %dma_wait3A_56 = tpu.memref_slice %arg2[%dma_wait3A_54, %dma_wait3A_55] : memref<512x64xf32, #tpu.memory_space<hbm>> -> memref<512x64xf32, #tpu.memory_space<hbm>>
    tpu.wait_indirect_dma semaphore(%arg7 : memref<!tpu.dma_semaphore, #tpu.memory_space<semaphore_mem>>) src(%dma_wait3A_56 : memref<512x64xf32, #tpu.memory_space<hbm>>) dst(%arg6 : memref<128x64xf32, #tpu.memory_space<vmem>>)
    "tpu.region"() ({
      %run_scoped3A = tpu.sem_alloc : memref<!tpu.dma_semaphore, #tpu.memory_space<semaphore_mem>>
      %dma_start3A_129 = arith.constant 0 : i32
      %dma_start3A_130 = tpu.memref_slice %arg4[%add3A_50, %dma_start3A_129] : memref<65536x64xf32, #tpu.memory_space<hbm>> -> memref<128x64xf32, #tpu.memory_space<hbm>>
      %dma_start3A_131 = arith.constant 0 : i32
      %dma_start3A_132 = tpu.memref_slice %arg4[%add3A_50, %dma_start3A_131] : memref<65536x64xf32, #tpu.memory_space<hbm>> -> memref<128x64xf32, #tpu.memory_space<hbm>>
      tpu.enqueue_dma source(%arg6 : memref<128x64xf32, #tpu.memory_space<vmem>>) target(%dma_start3A_132 : memref<128x64xf32, #tpu.memory_space<hbm>>) target_semaphore(%run_scoped3A : memref<!tpu.dma_semaphore, #tpu.memory_space<semaphore_mem>>)
      %dma_wait3A_133 = arith.constant 0 : i32
      %dma_wait3A_134 = tpu.memref_slice %arg4[%add3A_50, %dma_wait3A_133] : memref<65536x64xf32, #tpu.memory_space<hbm>> -> memref<128x64xf32, #tpu.memory_space<hbm>>
      %dma_wait3A_135 = arith.constant 0 : i32
      %dma_wait3A_136 = tpu.memref_slice %arg4[%add3A_50, %dma_wait3A_135] : memref<65536x64xf32, #tpu.memory_space<hbm>> -> memref<128x64xf32, #tpu.memory_space<hbm>>
      tpu.wait_dma2 semaphore(%run_scoped3A : memref<!tpu.dma_semaphore, #tpu.memory_space<semaphore_mem>>) src(%arg6 : memref<128x64xf32, #tpu.memory_space<vmem>>) dst(%dma_wait3A_136 : memref<128x64xf32, #tpu.memory_space<hbm>>)
      tpu.yield
    }) : () -> ()
    %add3A_57 = arith.constant 896 : i32
    %add3A_58 = arith.addi %mul3A_2, %add3A_57 : i32
    "tpu.region"() ({
      %run_scoped3A = tpu.sem_alloc : memref<!tpu.dma_semaphore, #tpu.memory_space<semaphore_mem>>
      %dma_start3A_129 = tpu.memref_slice %arg3[%add3A_58] : memref<65536xi32, #tpu.memory_space<hbm>> -> memref<128xi32, #tpu.memory_space<hbm>>
      %dma_start3A_130 = tpu.memref_slice %arg3[%add3A_58] : memref<65536xi32, #tpu.memory_space<hbm>> -> memref<128xi32, #tpu.memory_space<hbm>>
      tpu.enqueue_dma source(%dma_start3A_130 : memref<128xi32, #tpu.memory_space<hbm>>) target(%arg5 : memref<128xi32, #tpu.memory_space<vmem>>) target_semaphore(%run_scoped3A : memref<!tpu.dma_semaphore, #tpu.memory_space<semaphore_mem>>)
      %dma_wait3A_131 = tpu.memref_slice %arg3[%add3A_58] : memref<65536xi32, #tpu.memory_space<hbm>> -> memref<128xi32, #tpu.memory_space<hbm>>
      %dma_wait3A_132 = tpu.memref_slice %arg3[%add3A_58] : memref<65536xi32, #tpu.memory_space<hbm>> -> memref<128xi32, #tpu.memory_space<hbm>>
      tpu.wait_dma2 semaphore(%run_scoped3A : memref<!tpu.dma_semaphore, #tpu.memory_space<semaphore_mem>>) src(%dma_wait3A_132 : memref<128xi32, #tpu.memory_space<hbm>>) dst(%arg5 : memref<128xi32, #tpu.memory_space<vmem>>)
      tpu.yield
    }) : () -> ()
    %dma_start3A_59 = arith.constant 0 : i32
    %dma_start3A_60 = arith.constant 0 : i32
    %dma_start3A_61 = tpu.memref_slice %arg2[%dma_start3A_59, %dma_start3A_60] : memref<512x64xf32, #tpu.memory_space<hbm>> -> memref<512x64xf32, #tpu.memory_space<hbm>>
    tpu.enqueue_indirect_dma source(%dma_start3A_61 : memref<512x64xf32, #tpu.memory_space<hbm>>) target(%arg6 : memref<128x64xf32, #tpu.memory_space<vmem>>) offsets(%arg5 : memref<128xi32, #tpu.memory_space<vmem>>) semaphore(%arg7 : memref<!tpu.dma_semaphore, #tpu.memory_space<semaphore_mem>>)
    %dma_wait3A_62 = arith.constant 0 : i32
    %dma_wait3A_63 = arith.constant 0 : i32
    %dma_wait3A_64 = tpu.memref_slice %arg2[%dma_wait3A_62, %dma_wait3A_63] : memref<512x64xf32, #tpu.memory_space<hbm>> -> memref<512x64xf32, #tpu.memory_space<hbm>>
    tpu.wait_indirect_dma semaphore(%arg7 : memref<!tpu.dma_semaphore, #tpu.memory_space<semaphore_mem>>) src(%dma_wait3A_64 : memref<512x64xf32, #tpu.memory_space<hbm>>) dst(%arg6 : memref<128x64xf32, #tpu.memory_space<vmem>>)
    "tpu.region"() ({
      %run_scoped3A = tpu.sem_alloc : memref<!tpu.dma_semaphore, #tpu.memory_space<semaphore_mem>>
      %dma_start3A_129 = arith.constant 0 : i32
      %dma_start3A_130 = tpu.memref_slice %arg4[%add3A_58, %dma_start3A_129] : memref<65536x64xf32, #tpu.memory_space<hbm>> -> memref<128x64xf32, #tpu.memory_space<hbm>>
      %dma_start3A_131 = arith.constant 0 : i32
      %dma_start3A_132 = tpu.memref_slice %arg4[%add3A_58, %dma_start3A_131] : memref<65536x64xf32, #tpu.memory_space<hbm>> -> memref<128x64xf32, #tpu.memory_space<hbm>>
      tpu.enqueue_dma source(%arg6 : memref<128x64xf32, #tpu.memory_space<vmem>>) target(%dma_start3A_132 : memref<128x64xf32, #tpu.memory_space<hbm>>) target_semaphore(%run_scoped3A : memref<!tpu.dma_semaphore, #tpu.memory_space<semaphore_mem>>)
      %dma_wait3A_133 = arith.constant 0 : i32
      %dma_wait3A_134 = tpu.memref_slice %arg4[%add3A_58, %dma_wait3A_133] : memref<65536x64xf32, #tpu.memory_space<hbm>> -> memref<128x64xf32, #tpu.memory_space<hbm>>
      %dma_wait3A_135 = arith.constant 0 : i32
      %dma_wait3A_136 = tpu.memref_slice %arg4[%add3A_58, %dma_wait3A_135] : memref<65536x64xf32, #tpu.memory_space<hbm>> -> memref<128x64xf32, #tpu.memory_space<hbm>>
      tpu.wait_dma2 semaphore(%run_scoped3A : memref<!tpu.dma_semaphore, #tpu.memory_space<semaphore_mem>>) src(%arg6 : memref<128x64xf32, #tpu.memory_space<vmem>>) dst(%dma_wait3A_136 : memref<128x64xf32, #tpu.memory_space<hbm>>)
      tpu.yield
    }) : () -> ()
    %add3A_65 = arith.constant 1024 : i32
    %add3A_66 = arith.addi %mul3A_2, %add3A_65 : i32
    "tpu.region"() ({
      %run_scoped3A = tpu.sem_alloc : memref<!tpu.dma_semaphore, #tpu.memory_space<semaphore_mem>>
      %dma_start3A_129 = tpu.memref_slice %arg3[%add3A_66] : memref<65536xi32, #tpu.memory_space<hbm>> -> memref<128xi32, #tpu.memory_space<hbm>>
      %dma_start3A_130 = tpu.memref_slice %arg3[%add3A_66] : memref<65536xi32, #tpu.memory_space<hbm>> -> memref<128xi32, #tpu.memory_space<hbm>>
      tpu.enqueue_dma source(%dma_start3A_130 : memref<128xi32, #tpu.memory_space<hbm>>) target(%arg5 : memref<128xi32, #tpu.memory_space<vmem>>) target_semaphore(%run_scoped3A : memref<!tpu.dma_semaphore, #tpu.memory_space<semaphore_mem>>)
      %dma_wait3A_131 = tpu.memref_slice %arg3[%add3A_66] : memref<65536xi32, #tpu.memory_space<hbm>> -> memref<128xi32, #tpu.memory_space<hbm>>
      %dma_wait3A_132 = tpu.memref_slice %arg3[%add3A_66] : memref<65536xi32, #tpu.memory_space<hbm>> -> memref<128xi32, #tpu.memory_space<hbm>>
      tpu.wait_dma2 semaphore(%run_scoped3A : memref<!tpu.dma_semaphore, #tpu.memory_space<semaphore_mem>>) src(%dma_wait3A_132 : memref<128xi32, #tpu.memory_space<hbm>>) dst(%arg5 : memref<128xi32, #tpu.memory_space<vmem>>)
      tpu.yield
    }) : () -> ()
    %dma_start3A_67 = arith.constant 0 : i32
    %dma_start3A_68 = arith.constant 0 : i32
    %dma_start3A_69 = tpu.memref_slice %arg2[%dma_start3A_67, %dma_start3A_68] : memref<512x64xf32, #tpu.memory_space<hbm>> -> memref<512x64xf32, #tpu.memory_space<hbm>>
    tpu.enqueue_indirect_dma source(%dma_start3A_69 : memref<512x64xf32, #tpu.memory_space<hbm>>) target(%arg6 : memref<128x64xf32, #tpu.memory_space<vmem>>) offsets(%arg5 : memref<128xi32, #tpu.memory_space<vmem>>) semaphore(%arg7 : memref<!tpu.dma_semaphore, #tpu.memory_space<semaphore_mem>>)
    %dma_wait3A_70 = arith.constant 0 : i32
    %dma_wait3A_71 = arith.constant 0 : i32
    %dma_wait3A_72 = tpu.memref_slice %arg2[%dma_wait3A_70, %dma_wait3A_71] : memref<512x64xf32, #tpu.memory_space<hbm>> -> memref<512x64xf32, #tpu.memory_space<hbm>>
    tpu.wait_indirect_dma semaphore(%arg7 : memref<!tpu.dma_semaphore, #tpu.memory_space<semaphore_mem>>) src(%dma_wait3A_72 : memref<512x64xf32, #tpu.memory_space<hbm>>) dst(%arg6 : memref<128x64xf32, #tpu.memory_space<vmem>>)
    "tpu.region"() ({
      %run_scoped3A = tpu.sem_alloc : memref<!tpu.dma_semaphore, #tpu.memory_space<semaphore_mem>>
      %dma_start3A_129 = arith.constant 0 : i32
      %dma_start3A_130 = tpu.memref_slice %arg4[%add3A_66, %dma_start3A_129] : memref<65536x64xf32, #tpu.memory_space<hbm>> -> memref<128x64xf32, #tpu.memory_space<hbm>>
      %dma_start3A_131 = arith.constant 0 : i32
      %dma_start3A_132 = tpu.memref_slice %arg4[%add3A_66, %dma_start3A_131] : memref<65536x64xf32, #tpu.memory_space<hbm>> -> memref<128x64xf32, #tpu.memory_space<hbm>>
      tpu.enqueue_dma source(%arg6 : memref<128x64xf32, #tpu.memory_space<vmem>>) target(%dma_start3A_132 : memref<128x64xf32, #tpu.memory_space<hbm>>) target_semaphore(%run_scoped3A : memref<!tpu.dma_semaphore, #tpu.memory_space<semaphore_mem>>)
      %dma_wait3A_133 = arith.constant 0 : i32
      %dma_wait3A_134 = tpu.memref_slice %arg4[%add3A_66, %dma_wait3A_133] : memref<65536x64xf32, #tpu.memory_space<hbm>> -> memref<128x64xf32, #tpu.memory_space<hbm>>
      %dma_wait3A_135 = arith.constant 0 : i32
      %dma_wait3A_136 = tpu.memref_slice %arg4[%add3A_66, %dma_wait3A_135] : memref<65536x64xf32, #tpu.memory_space<hbm>> -> memref<128x64xf32, #tpu.memory_space<hbm>>
      tpu.wait_dma2 semaphore(%run_scoped3A : memref<!tpu.dma_semaphore, #tpu.memory_space<semaphore_mem>>) src(%arg6 : memref<128x64xf32, #tpu.memory_space<vmem>>) dst(%dma_wait3A_136 : memref<128x64xf32, #tpu.memory_space<hbm>>)
      tpu.yield
    }) : () -> ()
    %add3A_73 = arith.constant 1152 : i32
    %add3A_74 = arith.addi %mul3A_2, %add3A_73 : i32
    "tpu.region"() ({
      %run_scoped3A = tpu.sem_alloc : memref<!tpu.dma_semaphore, #tpu.memory_space<semaphore_mem>>
      %dma_start3A_129 = tpu.memref_slice %arg3[%add3A_74] : memref<65536xi32, #tpu.memory_space<hbm>> -> memref<128xi32, #tpu.memory_space<hbm>>
      %dma_start3A_130 = tpu.memref_slice %arg3[%add3A_74] : memref<65536xi32, #tpu.memory_space<hbm>> -> memref<128xi32, #tpu.memory_space<hbm>>
      tpu.enqueue_dma source(%dma_start3A_130 : memref<128xi32, #tpu.memory_space<hbm>>) target(%arg5 : memref<128xi32, #tpu.memory_space<vmem>>) target_semaphore(%run_scoped3A : memref<!tpu.dma_semaphore, #tpu.memory_space<semaphore_mem>>)
      %dma_wait3A_131 = tpu.memref_slice %arg3[%add3A_74] : memref<65536xi32, #tpu.memory_space<hbm>> -> memref<128xi32, #tpu.memory_space<hbm>>
      %dma_wait3A_132 = tpu.memref_slice %arg3[%add3A_74] : memref<65536xi32, #tpu.memory_space<hbm>> -> memref<128xi32, #tpu.memory_space<hbm>>
      tpu.wait_dma2 semaphore(%run_scoped3A : memref<!tpu.dma_semaphore, #tpu.memory_space<semaphore_mem>>) src(%dma_wait3A_132 : memref<128xi32, #tpu.memory_space<hbm>>) dst(%arg5 : memref<128xi32, #tpu.memory_space<vmem>>)
      tpu.yield
    }) : () -> ()
    %dma_start3A_75 = arith.constant 0 : i32
    %dma_start3A_76 = arith.constant 0 : i32
    %dma_start3A_77 = tpu.memref_slice %arg2[%dma_start3A_75, %dma_start3A_76] : memref<512x64xf32, #tpu.memory_space<hbm>> -> memref<512x64xf32, #tpu.memory_space<hbm>>
    tpu.enqueue_indirect_dma source(%dma_start3A_77 : memref<512x64xf32, #tpu.memory_space<hbm>>) target(%arg6 : memref<128x64xf32, #tpu.memory_space<vmem>>) offsets(%arg5 : memref<128xi32, #tpu.memory_space<vmem>>) semaphore(%arg7 : memref<!tpu.dma_semaphore, #tpu.memory_space<semaphore_mem>>)
    %dma_wait3A_78 = arith.constant 0 : i32
    %dma_wait3A_79 = arith.constant 0 : i32
    %dma_wait3A_80 = tpu.memref_slice %arg2[%dma_wait3A_78, %dma_wait3A_79] : memref<512x64xf32, #tpu.memory_space<hbm>> -> memref<512x64xf32, #tpu.memory_space<hbm>>
    tpu.wait_indirect_dma semaphore(%arg7 : memref<!tpu.dma_semaphore, #tpu.memory_space<semaphore_mem>>) src(%dma_wait3A_80 : memref<512x64xf32, #tpu.memory_space<hbm>>) dst(%arg6 : memref<128x64xf32, #tpu.memory_space<vmem>>)
    "tpu.region"() ({
      %run_scoped3A = tpu.sem_alloc : memref<!tpu.dma_semaphore, #tpu.memory_space<semaphore_mem>>
      %dma_start3A_129 = arith.constant 0 : i32
      %dma_start3A_130 = tpu.memref_slice %arg4[%add3A_74, %dma_start3A_129] : memref<65536x64xf32, #tpu.memory_space<hbm>> -> memref<128x64xf32, #tpu.memory_space<hbm>>
      %dma_start3A_131 = arith.constant 0 : i32
      %dma_start3A_132 = tpu.memref_slice %arg4[%add3A_74, %dma_start3A_131] : memref<65536x64xf32, #tpu.memory_space<hbm>> -> memref<128x64xf32, #tpu.memory_space<hbm>>
      tpu.enqueue_dma source(%arg6 : memref<128x64xf32, #tpu.memory_space<vmem>>) target(%dma_start3A_132 : memref<128x64xf32, #tpu.memory_space<hbm>>) target_semaphore(%run_scoped3A : memref<!tpu.dma_semaphore, #tpu.memory_space<semaphore_mem>>)
      %dma_wait3A_133 = arith.constant 0 : i32
      %dma_wait3A_134 = tpu.memref_slice %arg4[%add3A_74, %dma_wait3A_133] : memref<65536x64xf32, #tpu.memory_space<hbm>> -> memref<128x64xf32, #tpu.memory_space<hbm>>
      %dma_wait3A_135 = arith.constant 0 : i32
      %dma_wait3A_136 = tpu.memref_slice %arg4[%add3A_74, %dma_wait3A_135] : memref<65536x64xf32, #tpu.memory_space<hbm>> -> memref<128x64xf32, #tpu.memory_space<hbm>>
      tpu.wait_dma2 semaphore(%run_scoped3A : memref<!tpu.dma_semaphore, #tpu.memory_space<semaphore_mem>>) src(%arg6 : memref<128x64xf32, #tpu.memory_space<vmem>>) dst(%dma_wait3A_136 : memref<128x64xf32, #tpu.memory_space<hbm>>)
      tpu.yield
    }) : () -> ()
    %add3A_81 = arith.constant 1280 : i32
    %add3A_82 = arith.addi %mul3A_2, %add3A_81 : i32
    "tpu.region"() ({
      %run_scoped3A = tpu.sem_alloc : memref<!tpu.dma_semaphore, #tpu.memory_space<semaphore_mem>>
      %dma_start3A_129 = tpu.memref_slice %arg3[%add3A_82] : memref<65536xi32, #tpu.memory_space<hbm>> -> memref<128xi32, #tpu.memory_space<hbm>>
      %dma_start3A_130 = tpu.memref_slice %arg3[%add3A_82] : memref<65536xi32, #tpu.memory_space<hbm>> -> memref<128xi32, #tpu.memory_space<hbm>>
      tpu.enqueue_dma source(%dma_start3A_130 : memref<128xi32, #tpu.memory_space<hbm>>) target(%arg5 : memref<128xi32, #tpu.memory_space<vmem>>) target_semaphore(%run_scoped3A : memref<!tpu.dma_semaphore, #tpu.memory_space<semaphore_mem>>)
      %dma_wait3A_131 = tpu.memref_slice %arg3[%add3A_82] : memref<65536xi32, #tpu.memory_space<hbm>> -> memref<128xi32, #tpu.memory_space<hbm>>
      %dma_wait3A_132 = tpu.memref_slice %arg3[%add3A_82] : memref<65536xi32, #tpu.memory_space<hbm>> -> memref<128xi32, #tpu.memory_space<hbm>>
      tpu.wait_dma2 semaphore(%run_scoped3A : memref<!tpu.dma_semaphore, #tpu.memory_space<semaphore_mem>>) src(%dma_wait3A_132 : memref<128xi32, #tpu.memory_space<hbm>>) dst(%arg5 : memref<128xi32, #tpu.memory_space<vmem>>)
      tpu.yield
    }) : () -> ()
    %dma_start3A_83 = arith.constant 0 : i32
    %dma_start3A_84 = arith.constant 0 : i32
    %dma_start3A_85 = tpu.memref_slice %arg2[%dma_start3A_83, %dma_start3A_84] : memref<512x64xf32, #tpu.memory_space<hbm>> -> memref<512x64xf32, #tpu.memory_space<hbm>>
    tpu.enqueue_indirect_dma source(%dma_start3A_85 : memref<512x64xf32, #tpu.memory_space<hbm>>) target(%arg6 : memref<128x64xf32, #tpu.memory_space<vmem>>) offsets(%arg5 : memref<128xi32, #tpu.memory_space<vmem>>) semaphore(%arg7 : memref<!tpu.dma_semaphore, #tpu.memory_space<semaphore_mem>>)
    %dma_wait3A_86 = arith.constant 0 : i32
    %dma_wait3A_87 = arith.constant 0 : i32
    %dma_wait3A_88 = tpu.memref_slice %arg2[%dma_wait3A_86, %dma_wait3A_87] : memref<512x64xf32, #tpu.memory_space<hbm>> -> memref<512x64xf32, #tpu.memory_space<hbm>>
    tpu.wait_indirect_dma semaphore(%arg7 : memref<!tpu.dma_semaphore, #tpu.memory_space<semaphore_mem>>) src(%dma_wait3A_88 : memref<512x64xf32, #tpu.memory_space<hbm>>) dst(%arg6 : memref<128x64xf32, #tpu.memory_space<vmem>>)
    "tpu.region"() ({
      %run_scoped3A = tpu.sem_alloc : memref<!tpu.dma_semaphore, #tpu.memory_space<semaphore_mem>>
      %dma_start3A_129 = arith.constant 0 : i32
      %dma_start3A_130 = tpu.memref_slice %arg4[%add3A_82, %dma_start3A_129] : memref<65536x64xf32, #tpu.memory_space<hbm>> -> memref<128x64xf32, #tpu.memory_space<hbm>>
      %dma_start3A_131 = arith.constant 0 : i32
      %dma_start3A_132 = tpu.memref_slice %arg4[%add3A_82, %dma_start3A_131] : memref<65536x64xf32, #tpu.memory_space<hbm>> -> memref<128x64xf32, #tpu.memory_space<hbm>>
      tpu.enqueue_dma source(%arg6 : memref<128x64xf32, #tpu.memory_space<vmem>>) target(%dma_start3A_132 : memref<128x64xf32, #tpu.memory_space<hbm>>) target_semaphore(%run_scoped3A : memref<!tpu.dma_semaphore, #tpu.memory_space<semaphore_mem>>)
      %dma_wait3A_133 = arith.constant 0 : i32
      %dma_wait3A_134 = tpu.memref_slice %arg4[%add3A_82, %dma_wait3A_133] : memref<65536x64xf32, #tpu.memory_space<hbm>> -> memref<128x64xf32, #tpu.memory_space<hbm>>
      %dma_wait3A_135 = arith.constant 0 : i32
      %dma_wait3A_136 = tpu.memref_slice %arg4[%add3A_82, %dma_wait3A_135] : memref<65536x64xf32, #tpu.memory_space<hbm>> -> memref<128x64xf32, #tpu.memory_space<hbm>>
      tpu.wait_dma2 semaphore(%run_scoped3A : memref<!tpu.dma_semaphore, #tpu.memory_space<semaphore_mem>>) src(%arg6 : memref<128x64xf32, #tpu.memory_space<vmem>>) dst(%dma_wait3A_136 : memref<128x64xf32, #tpu.memory_space<hbm>>)
      tpu.yield
    }) : () -> ()
    %add3A_89 = arith.constant 1408 : i32
    %add3A_90 = arith.addi %mul3A_2, %add3A_89 : i32
    "tpu.region"() ({
      %run_scoped3A = tpu.sem_alloc : memref<!tpu.dma_semaphore, #tpu.memory_space<semaphore_mem>>
      %dma_start3A_129 = tpu.memref_slice %arg3[%add3A_90] : memref<65536xi32, #tpu.memory_space<hbm>> -> memref<128xi32, #tpu.memory_space<hbm>>
      %dma_start3A_130 = tpu.memref_slice %arg3[%add3A_90] : memref<65536xi32, #tpu.memory_space<hbm>> -> memref<128xi32, #tpu.memory_space<hbm>>
      tpu.enqueue_dma source(%dma_start3A_130 : memref<128xi32, #tpu.memory_space<hbm>>) target(%arg5 : memref<128xi32, #tpu.memory_space<vmem>>) target_semaphore(%run_scoped3A : memref<!tpu.dma_semaphore, #tpu.memory_space<semaphore_mem>>)
      %dma_wait3A_131 = tpu.memref_slice %arg3[%add3A_90] : memref<65536xi32, #tpu.memory_space<hbm>> -> memref<128xi32, #tpu.memory_space<hbm>>
      %dma_wait3A_132 = tpu.memref_slice %arg3[%add3A_90] : memref<65536xi32, #tpu.memory_space<hbm>> -> memref<128xi32, #tpu.memory_space<hbm>>
      tpu.wait_dma2 semaphore(%run_scoped3A : memref<!tpu.dma_semaphore, #tpu.memory_space<semaphore_mem>>) src(%dma_wait3A_132 : memref<128xi32, #tpu.memory_space<hbm>>) dst(%arg5 : memref<128xi32, #tpu.memory_space<vmem>>)
      tpu.yield
    }) : () -> ()
    %dma_start3A_91 = arith.constant 0 : i32
    %dma_start3A_92 = arith.constant 0 : i32
    %dma_start3A_93 = tpu.memref_slice %arg2[%dma_start3A_91, %dma_start3A_92] : memref<512x64xf32, #tpu.memory_space<hbm>> -> memref<512x64xf32, #tpu.memory_space<hbm>>
    tpu.enqueue_indirect_dma source(%dma_start3A_93 : memref<512x64xf32, #tpu.memory_space<hbm>>) target(%arg6 : memref<128x64xf32, #tpu.memory_space<vmem>>) offsets(%arg5 : memref<128xi32, #tpu.memory_space<vmem>>) semaphore(%arg7 : memref<!tpu.dma_semaphore, #tpu.memory_space<semaphore_mem>>)
    %dma_wait3A_94 = arith.constant 0 : i32
    %dma_wait3A_95 = arith.constant 0 : i32
    %dma_wait3A_96 = tpu.memref_slice %arg2[%dma_wait3A_94, %dma_wait3A_95] : memref<512x64xf32, #tpu.memory_space<hbm>> -> memref<512x64xf32, #tpu.memory_space<hbm>>
    tpu.wait_indirect_dma semaphore(%arg7 : memref<!tpu.dma_semaphore, #tpu.memory_space<semaphore_mem>>) src(%dma_wait3A_96 : memref<512x64xf32, #tpu.memory_space<hbm>>) dst(%arg6 : memref<128x64xf32, #tpu.memory_space<vmem>>)
    "tpu.region"() ({
      %run_scoped3A = tpu.sem_alloc : memref<!tpu.dma_semaphore, #tpu.memory_space<semaphore_mem>>
      %dma_start3A_129 = arith.constant 0 : i32
      %dma_start3A_130 = tpu.memref_slice %arg4[%add3A_90, %dma_start3A_129] : memref<65536x64xf32, #tpu.memory_space<hbm>> -> memref<128x64xf32, #tpu.memory_space<hbm>>
      %dma_start3A_131 = arith.constant 0 : i32
      %dma_start3A_132 = tpu.memref_slice %arg4[%add3A_90, %dma_start3A_131] : memref<65536x64xf32, #tpu.memory_space<hbm>> -> memref<128x64xf32, #tpu.memory_space<hbm>>
      tpu.enqueue_dma source(%arg6 : memref<128x64xf32, #tpu.memory_space<vmem>>) target(%dma_start3A_132 : memref<128x64xf32, #tpu.memory_space<hbm>>) target_semaphore(%run_scoped3A : memref<!tpu.dma_semaphore, #tpu.memory_space<semaphore_mem>>)
      %dma_wait3A_133 = arith.constant 0 : i32
      %dma_wait3A_134 = tpu.memref_slice %arg4[%add3A_90, %dma_wait3A_133] : memref<65536x64xf32, #tpu.memory_space<hbm>> -> memref<128x64xf32, #tpu.memory_space<hbm>>
      %dma_wait3A_135 = arith.constant 0 : i32
      %dma_wait3A_136 = tpu.memref_slice %arg4[%add3A_90, %dma_wait3A_135] : memref<65536x64xf32, #tpu.memory_space<hbm>> -> memref<128x64xf32, #tpu.memory_space<hbm>>
      tpu.wait_dma2 semaphore(%run_scoped3A : memref<!tpu.dma_semaphore, #tpu.memory_space<semaphore_mem>>) src(%arg6 : memref<128x64xf32, #tpu.memory_space<vmem>>) dst(%dma_wait3A_136 : memref<128x64xf32, #tpu.memory_space<hbm>>)
      tpu.yield
    }) : () -> ()
    %add3A_97 = arith.constant 1536 : i32
    %add3A_98 = arith.addi %mul3A_2, %add3A_97 : i32
    "tpu.region"() ({
      %run_scoped3A = tpu.sem_alloc : memref<!tpu.dma_semaphore, #tpu.memory_space<semaphore_mem>>
      %dma_start3A_129 = tpu.memref_slice %arg3[%add3A_98] : memref<65536xi32, #tpu.memory_space<hbm>> -> memref<128xi32, #tpu.memory_space<hbm>>
      %dma_start3A_130 = tpu.memref_slice %arg3[%add3A_98] : memref<65536xi32, #tpu.memory_space<hbm>> -> memref<128xi32, #tpu.memory_space<hbm>>
      tpu.enqueue_dma source(%dma_start3A_130 : memref<128xi32, #tpu.memory_space<hbm>>) target(%arg5 : memref<128xi32, #tpu.memory_space<vmem>>) target_semaphore(%run_scoped3A : memref<!tpu.dma_semaphore, #tpu.memory_space<semaphore_mem>>)
      %dma_wait3A_131 = tpu.memref_slice %arg3[%add3A_98] : memref<65536xi32, #tpu.memory_space<hbm>> -> memref<128xi32, #tpu.memory_space<hbm>>
      %dma_wait3A_132 = tpu.memref_slice %arg3[%add3A_98] : memref<65536xi32, #tpu.memory_space<hbm>> -> memref<128xi32, #tpu.memory_space<hbm>>
      tpu.wait_dma2 semaphore(%run_scoped3A : memref<!tpu.dma_semaphore, #tpu.memory_space<semaphore_mem>>) src(%dma_wait3A_132 : memref<128xi32, #tpu.memory_space<hbm>>) dst(%arg5 : memref<128xi32, #tpu.memory_space<vmem>>)
      tpu.yield
    }) : () -> ()
    %dma_start3A_99 = arith.constant 0 : i32
    %dma_start3A_100 = arith.constant 0 : i32
    %dma_start3A_101 = tpu.memref_slice %arg2[%dma_start3A_99, %dma_start3A_100] : memref<512x64xf32, #tpu.memory_space<hbm>> -> memref<512x64xf32, #tpu.memory_space<hbm>>
    tpu.enqueue_indirect_dma source(%dma_start3A_101 : memref<512x64xf32, #tpu.memory_space<hbm>>) target(%arg6 : memref<128x64xf32, #tpu.memory_space<vmem>>) offsets(%arg5 : memref<128xi32, #tpu.memory_space<vmem>>) semaphore(%arg7 : memref<!tpu.dma_semaphore, #tpu.memory_space<semaphore_mem>>)
    %dma_wait3A_102 = arith.constant 0 : i32
    %dma_wait3A_103 = arith.constant 0 : i32
    %dma_wait3A_104 = tpu.memref_slice %arg2[%dma_wait3A_102, %dma_wait3A_103] : memref<512x64xf32, #tpu.memory_space<hbm>> -> memref<512x64xf32, #tpu.memory_space<hbm>>
    tpu.wait_indirect_dma semaphore(%arg7 : memref<!tpu.dma_semaphore, #tpu.memory_space<semaphore_mem>>) src(%dma_wait3A_104 : memref<512x64xf32, #tpu.memory_space<hbm>>) dst(%arg6 : memref<128x64xf32, #tpu.memory_space<vmem>>)
    "tpu.region"() ({
      %run_scoped3A = tpu.sem_alloc : memref<!tpu.dma_semaphore, #tpu.memory_space<semaphore_mem>>
      %dma_start3A_129 = arith.constant 0 : i32
      %dma_start3A_130 = tpu.memref_slice %arg4[%add3A_98, %dma_start3A_129] : memref<65536x64xf32, #tpu.memory_space<hbm>> -> memref<128x64xf32, #tpu.memory_space<hbm>>
      %dma_start3A_131 = arith.constant 0 : i32
      %dma_start3A_132 = tpu.memref_slice %arg4[%add3A_98, %dma_start3A_131] : memref<65536x64xf32, #tpu.memory_space<hbm>> -> memref<128x64xf32, #tpu.memory_space<hbm>>
      tpu.enqueue_dma source(%arg6 : memref<128x64xf32, #tpu.memory_space<vmem>>) target(%dma_start3A_132 : memref<128x64xf32, #tpu.memory_space<hbm>>) target_semaphore(%run_scoped3A : memref<!tpu.dma_semaphore, #tpu.memory_space<semaphore_mem>>)
      %dma_wait3A_133 = arith.constant 0 : i32
      %dma_wait3A_134 = tpu.memref_slice %arg4[%add3A_98, %dma_wait3A_133] : memref<65536x64xf32, #tpu.memory_space<hbm>> -> memref<128x64xf32, #tpu.memory_space<hbm>>
      %dma_wait3A_135 = arith.constant 0 : i32
      %dma_wait3A_136 = tpu.memref_slice %arg4[%add3A_98, %dma_wait3A_135] : memref<65536x64xf32, #tpu.memory_space<hbm>> -> memref<128x64xf32, #tpu.memory_space<hbm>>
      tpu.wait_dma2 semaphore(%run_scoped3A : memref<!tpu.dma_semaphore, #tpu.memory_space<semaphore_mem>>) src(%arg6 : memref<128x64xf32, #tpu.memory_space<vmem>>) dst(%dma_wait3A_136 : memref<128x64xf32, #tpu.memory_space<hbm>>)
      tpu.yield
    }) : () -> ()
    %add3A_105 = arith.constant 1664 : i32
    %add3A_106 = arith.addi %mul3A_2, %add3A_105 : i32
    "tpu.region"() ({
      %run_scoped3A = tpu.sem_alloc : memref<!tpu.dma_semaphore, #tpu.memory_space<semaphore_mem>>
      %dma_start3A_129 = tpu.memref_slice %arg3[%add3A_106] : memref<65536xi32, #tpu.memory_space<hbm>> -> memref<128xi32, #tpu.memory_space<hbm>>
      %dma_start3A_130 = tpu.memref_slice %arg3[%add3A_106] : memref<65536xi32, #tpu.memory_space<hbm>> -> memref<128xi32, #tpu.memory_space<hbm>>
      tpu.enqueue_dma source(%dma_start3A_130 : memref<128xi32, #tpu.memory_space<hbm>>) target(%arg5 : memref<128xi32, #tpu.memory_space<vmem>>) target_semaphore(%run_scoped3A : memref<!tpu.dma_semaphore, #tpu.memory_space<semaphore_mem>>)
      %dma_wait3A_131 = tpu.memref_slice %arg3[%add3A_106] : memref<65536xi32, #tpu.memory_space<hbm>> -> memref<128xi32, #tpu.memory_space<hbm>>
      %dma_wait3A_132 = tpu.memref_slice %arg3[%add3A_106] : memref<65536xi32, #tpu.memory_space<hbm>> -> memref<128xi32, #tpu.memory_space<hbm>>
      tpu.wait_dma2 semaphore(%run_scoped3A : memref<!tpu.dma_semaphore, #tpu.memory_space<semaphore_mem>>) src(%dma_wait3A_132 : memref<128xi32, #tpu.memory_space<hbm>>) dst(%arg5 : memref<128xi32, #tpu.memory_space<vmem>>)
      tpu.yield
    }) : () -> ()
    %dma_start3A_107 = arith.constant 0 : i32
    %dma_start3A_108 = arith.constant 0 : i32
    %dma_start3A_109 = tpu.memref_slice %arg2[%dma_start3A_107, %dma_start3A_108] : memref<512x64xf32, #tpu.memory_space<hbm>> -> memref<512x64xf32, #tpu.memory_space<hbm>>
    tpu.enqueue_indirect_dma source(%dma_start3A_109 : memref<512x64xf32, #tpu.memory_space<hbm>>) target(%arg6 : memref<128x64xf32, #tpu.memory_space<vmem>>) offsets(%arg5 : memref<128xi32, #tpu.memory_space<vmem>>) semaphore(%arg7 : memref<!tpu.dma_semaphore, #tpu.memory_space<semaphore_mem>>)
    %dma_wait3A_110 = arith.constant 0 : i32
    %dma_wait3A_111 = arith.constant 0 : i32
    %dma_wait3A_112 = tpu.memref_slice %arg2[%dma_wait3A_110, %dma_wait3A_111] : memref<512x64xf32, #tpu.memory_space<hbm>> -> memref<512x64xf32, #tpu.memory_space<hbm>>
    tpu.wait_indirect_dma semaphore(%arg7 : memref<!tpu.dma_semaphore, #tpu.memory_space<semaphore_mem>>) src(%dma_wait3A_112 : memref<512x64xf32, #tpu.memory_space<hbm>>) dst(%arg6 : memref<128x64xf32, #tpu.memory_space<vmem>>)
    "tpu.region"() ({
      %run_scoped3A = tpu.sem_alloc : memref<!tpu.dma_semaphore, #tpu.memory_space<semaphore_mem>>
      %dma_start3A_129 = arith.constant 0 : i32
      %dma_start3A_130 = tpu.memref_slice %arg4[%add3A_106, %dma_start3A_129] : memref<65536x64xf32, #tpu.memory_space<hbm>> -> memref<128x64xf32, #tpu.memory_space<hbm>>
      %dma_start3A_131 = arith.constant 0 : i32
      %dma_start3A_132 = tpu.memref_slice %arg4[%add3A_106, %dma_start3A_131] : memref<65536x64xf32, #tpu.memory_space<hbm>> -> memref<128x64xf32, #tpu.memory_space<hbm>>
      tpu.enqueue_dma source(%arg6 : memref<128x64xf32, #tpu.memory_space<vmem>>) target(%dma_start3A_132 : memref<128x64xf32, #tpu.memory_space<hbm>>) target_semaphore(%run_scoped3A : memref<!tpu.dma_semaphore, #tpu.memory_space<semaphore_mem>>)
      %dma_wait3A_133 = arith.constant 0 : i32
      %dma_wait3A_134 = tpu.memref_slice %arg4[%add3A_106, %dma_wait3A_133] : memref<65536x64xf32, #tpu.memory_space<hbm>> -> memref<128x64xf32, #tpu.memory_space<hbm>>
      %dma_wait3A_135 = arith.constant 0 : i32
      %dma_wait3A_136 = tpu.memref_slice %arg4[%add3A_106, %dma_wait3A_135] : memref<65536x64xf32, #tpu.memory_space<hbm>> -> memref<128x64xf32, #tpu.memory_space<hbm>>
      tpu.wait_dma2 semaphore(%run_scoped3A : memref<!tpu.dma_semaphore, #tpu.memory_space<semaphore_mem>>) src(%arg6 : memref<128x64xf32, #tpu.memory_space<vmem>>) dst(%dma_wait3A_136 : memref<128x64xf32, #tpu.memory_space<hbm>>)
      tpu.yield
    }) : () -> ()
    %add3A_113 = arith.constant 1792 : i32
    %add3A_114 = arith.addi %mul3A_2, %add3A_113 : i32
    "tpu.region"() ({
      %run_scoped3A = tpu.sem_alloc : memref<!tpu.dma_semaphore, #tpu.memory_space<semaphore_mem>>
      %dma_start3A_129 = tpu.memref_slice %arg3[%add3A_114] : memref<65536xi32, #tpu.memory_space<hbm>> -> memref<128xi32, #tpu.memory_space<hbm>>
      %dma_start3A_130 = tpu.memref_slice %arg3[%add3A_114] : memref<65536xi32, #tpu.memory_space<hbm>> -> memref<128xi32, #tpu.memory_space<hbm>>
      tpu.enqueue_dma source(%dma_start3A_130 : memref<128xi32, #tpu.memory_space<hbm>>) target(%arg5 : memref<128xi32, #tpu.memory_space<vmem>>) target_semaphore(%run_scoped3A : memref<!tpu.dma_semaphore, #tpu.memory_space<semaphore_mem>>)
      %dma_wait3A_131 = tpu.memref_slice %arg3[%add3A_114] : memref<65536xi32, #tpu.memory_space<hbm>> -> memref<128xi32, #tpu.memory_space<hbm>>
      %dma_wait3A_132 = tpu.memref_slice %arg3[%add3A_114] : memref<65536xi32, #tpu.memory_space<hbm>> -> memref<128xi32, #tpu.memory_space<hbm>>
      tpu.wait_dma2 semaphore(%run_scoped3A : memref<!tpu.dma_semaphore, #tpu.memory_space<semaphore_mem>>) src(%dma_wait3A_132 : memref<128xi32, #tpu.memory_space<hbm>>) dst(%arg5 : memref<128xi32, #tpu.memory_space<vmem>>)
      tpu.yield
    }) : () -> ()
    %dma_start3A_115 = arith.constant 0 : i32
    %dma_start3A_116 = arith.constant 0 : i32
    %dma_start3A_117 = tpu.memref_slice %arg2[%dma_start3A_115, %dma_start3A_116] : memref<512x64xf32, #tpu.memory_space<hbm>> -> memref<512x64xf32, #tpu.memory_space<hbm>>
    tpu.enqueue_indirect_dma source(%dma_start3A_117 : memref<512x64xf32, #tpu.memory_space<hbm>>) target(%arg6 : memref<128x64xf32, #tpu.memory_space<vmem>>) offsets(%arg5 : memref<128xi32, #tpu.memory_space<vmem>>) semaphore(%arg7 : memref<!tpu.dma_semaphore, #tpu.memory_space<semaphore_mem>>)
    %dma_wait3A_118 = arith.constant 0 : i32
    %dma_wait3A_119 = arith.constant 0 : i32
    %dma_wait3A_120 = tpu.memref_slice %arg2[%dma_wait3A_118, %dma_wait3A_119] : memref<512x64xf32, #tpu.memory_space<hbm>> -> memref<512x64xf32, #tpu.memory_space<hbm>>
    tpu.wait_indirect_dma semaphore(%arg7 : memref<!tpu.dma_semaphore, #tpu.memory_space<semaphore_mem>>) src(%dma_wait3A_120 : memref<512x64xf32, #tpu.memory_space<hbm>>) dst(%arg6 : memref<128x64xf32, #tpu.memory_space<vmem>>)
    "tpu.region"() ({
      %run_scoped3A = tpu.sem_alloc : memref<!tpu.dma_semaphore, #tpu.memory_space<semaphore_mem>>
      %dma_start3A_129 = arith.constant 0 : i32
      %dma_start3A_130 = tpu.memref_slice %arg4[%add3A_114, %dma_start3A_129] : memref<65536x64xf32, #tpu.memory_space<hbm>> -> memref<128x64xf32, #tpu.memory_space<hbm>>
      %dma_start3A_131 = arith.constant 0 : i32
      %dma_start3A_132 = tpu.memref_slice %arg4[%add3A_114, %dma_start3A_131] : memref<65536x64xf32, #tpu.memory_space<hbm>> -> memref<128x64xf32, #tpu.memory_space<hbm>>
      tpu.enqueue_dma source(%arg6 : memref<128x64xf32, #tpu.memory_space<vmem>>) target(%dma_start3A_132 : memref<128x64xf32, #tpu.memory_space<hbm>>) target_semaphore(%run_scoped3A : memref<!tpu.dma_semaphore, #tpu.memory_space<semaphore_mem>>)
      %dma_wait3A_133 = arith.constant 0 : i32
      %dma_wait3A_134 = tpu.memref_slice %arg4[%add3A_114, %dma_wait3A_133] : memref<65536x64xf32, #tpu.memory_space<hbm>> -> memref<128x64xf32, #tpu.memory_space<hbm>>
      %dma_wait3A_135 = arith.constant 0 : i32
      %dma_wait3A_136 = tpu.memref_slice %arg4[%add3A_114, %dma_wait3A_135] : memref<65536x64xf32, #tpu.memory_space<hbm>> -> memref<128x64xf32, #tpu.memory_space<hbm>>
      tpu.wait_dma2 semaphore(%run_scoped3A : memref<!tpu.dma_semaphore, #tpu.memory_space<semaphore_mem>>) src(%arg6 : memref<128x64xf32, #tpu.memory_space<vmem>>) dst(%dma_wait3A_136 : memref<128x64xf32, #tpu.memory_space<hbm>>)
      tpu.yield
    }) : () -> ()
    %add3A_121 = arith.constant 1920 : i32
    %add3A_122 = arith.addi %mul3A_2, %add3A_121 : i32
    "tpu.region"() ({
      %run_scoped3A = tpu.sem_alloc : memref<!tpu.dma_semaphore, #tpu.memory_space<semaphore_mem>>
      %dma_start3A_129 = tpu.memref_slice %arg3[%add3A_122] : memref<65536xi32, #tpu.memory_space<hbm>> -> memref<128xi32, #tpu.memory_space<hbm>>
      %dma_start3A_130 = tpu.memref_slice %arg3[%add3A_122] : memref<65536xi32, #tpu.memory_space<hbm>> -> memref<128xi32, #tpu.memory_space<hbm>>
      tpu.enqueue_dma source(%dma_start3A_130 : memref<128xi32, #tpu.memory_space<hbm>>) target(%arg5 : memref<128xi32, #tpu.memory_space<vmem>>) target_semaphore(%run_scoped3A : memref<!tpu.dma_semaphore, #tpu.memory_space<semaphore_mem>>)
      %dma_wait3A_131 = tpu.memref_slice %arg3[%add3A_122] : memref<65536xi32, #tpu.memory_space<hbm>> -> memref<128xi32, #tpu.memory_space<hbm>>
      %dma_wait3A_132 = tpu.memref_slice %arg3[%add3A_122] : memref<65536xi32, #tpu.memory_space<hbm>> -> memref<128xi32, #tpu.memory_space<hbm>>
      tpu.wait_dma2 semaphore(%run_scoped3A : memref<!tpu.dma_semaphore, #tpu.memory_space<semaphore_mem>>) src(%dma_wait3A_132 : memref<128xi32, #tpu.memory_space<hbm>>) dst(%arg5 : memref<128xi32, #tpu.memory_space<vmem>>)
      tpu.yield
    }) : () -> ()
    %dma_start3A_123 = arith.constant 0 : i32
    %dma_start3A_124 = arith.constant 0 : i32
    %dma_start3A_125 = tpu.memref_slice %arg2[%dma_start3A_123, %dma_start3A_124] : memref<512x64xf32, #tpu.memory_space<hbm>> -> memref<512x64xf32, #tpu.memory_space<hbm>>
    tpu.enqueue_indirect_dma source(%dma_start3A_125 : memref<512x64xf32, #tpu.memory_space<hbm>>) target(%arg6 : memref<128x64xf32, #tpu.memory_space<vmem>>) offsets(%arg5 : memref<128xi32, #tpu.memory_space<vmem>>) semaphore(%arg7 : memref<!tpu.dma_semaphore, #tpu.memory_space<semaphore_mem>>)
    %dma_wait3A_126 = arith.constant 0 : i32
    %dma_wait3A_127 = arith.constant 0 : i32
    %dma_wait3A_128 = tpu.memref_slice %arg2[%dma_wait3A_126, %dma_wait3A_127] : memref<512x64xf32, #tpu.memory_space<hbm>> -> memref<512x64xf32, #tpu.memory_space<hbm>>
    tpu.wait_indirect_dma semaphore(%arg7 : memref<!tpu.dma_semaphore, #tpu.memory_space<semaphore_mem>>) src(%dma_wait3A_128 : memref<512x64xf32, #tpu.memory_space<hbm>>) dst(%arg6 : memref<128x64xf32, #tpu.memory_space<vmem>>)
    "tpu.region"() ({
      %run_scoped3A = tpu.sem_alloc : memref<!tpu.dma_semaphore, #tpu.memory_space<semaphore_mem>>
      %dma_start3A_129 = arith.constant 0 : i32
      %dma_start3A_130 = tpu.memref_slice %arg4[%add3A_122, %dma_start3A_129] : memref<65536x64xf32, #tpu.memory_space<hbm>> -> memref<128x64xf32, #tpu.memory_space<hbm>>
      %dma_start3A_131 = arith.constant 0 : i32
      %dma_start3A_132 = tpu.memref_slice %arg4[%add3A_122, %dma_start3A_131] : memref<65536x64xf32, #tpu.memory_space<hbm>> -> memref<128x64xf32, #tpu.memory_space<hbm>>
      tpu.enqueue_dma source(%arg6 : memref<128x64xf32, #tpu.memory_space<vmem>>) target(%dma_start3A_132 : memref<128x64xf32, #tpu.memory_space<hbm>>) target_semaphore(%run_scoped3A : memref<!tpu.dma_semaphore, #tpu.memory_space<semaphore_mem>>)
      %dma_wait3A_133 = arith.constant 0 : i32
      %dma_wait3A_134 = tpu.memref_slice %arg4[%add3A_122, %dma_wait3A_133] : memref<65536x64xf32, #tpu.memory_space<hbm>> -> memref<128x64xf32, #tpu.memory_space<hbm>>
      %dma_wait3A_135 = arith.constant 0 : i32
      %dma_wait3A_136 = tpu.memref_slice %arg4[%add3A_122, %dma_wait3A_135] : memref<65536x64xf32, #tpu.memory_space<hbm>> -> memref<128x64xf32, #tpu.memory_space<hbm>>
      tpu.wait_dma2 semaphore(%run_scoped3A : memref<!tpu.dma_semaphore, #tpu.memory_space<semaphore_mem>>) src(%arg6 : memref<128x64xf32, #tpu.memory_space<vmem>>) dst(%dma_wait3A_136 : memref<128x64xf32, #tpu.memory_space<hbm>>)
      tpu.yield
    }) : () -> ()
    return
  }
}

module attributes {stable_mosaic.version = 14 : i64} {
  func.func @_vq_block(%arg0: i32, %arg1: memref<1024x64xf32, #tpu.memory_space<vmem>>, %arg2: memref<512x64xf32, #tpu.memory_space<vmem>>, %arg3: memref<1x1x1024xi32, #tpu.memory_space<vmem>>, %arg4: memref<1x1xf32, #tpu.memory_space<vmem>>, %arg5: memref<512x1xf32, #tpu.memory_space<vmem>>, %arg6: memref<512x64xbf16, #tpu.memory_space<vmem>>, %arg7: memref<512x64xbf16, #tpu.memory_space<vmem>>, %arg8: memref<1x64xf32, #tpu.memory_space<vmem>>, %arg9: memref<1x1024xf32, #tpu.memory_space<vmem>>) attributes {dimension_semantics = [#tpu.dimension_semantics<arbitrary>], iteration_bounds = array<i64: 64>, scalar_prefetch = 0 : i64, scratch_operands = 5 : i64, tpu.core_type = #tpu.core_type<tc>, window_params = [{transform_indices = @transform_0, window_bounds = array<i64: 1024, 64>}, {pipeline_mode = #tpu.pipeline_mode<synchronous>, transform_indices = @transform_1, window_bounds = array<i64: 512, 64>}, {transform_indices = @transform_2, window_bounds = array<i64: 1, 1, 1024>}, {pipeline_mode = #tpu.pipeline_mode<synchronous>, transform_indices = @transform_3, window_bounds = array<i64: 1, 1>}]} {
    %get3A = arith.constant 0 : index
    %get3A_0 = arith.constant 0 : index
    %get3A_1 = vector.load %arg1[%get3A, %get3A_0] : memref<1024x64xf32, #tpu.memory_space<vmem>>, vector<1024x64xf32>
    %eq3A = arith.constant 0 : i32
    %eq3A_2 = arith.cmpi eq, %arg0, %eq3A : i32
    %convert_element_type3A = arith.extui %eq3A_2 : i1 to i32
    %cond3A = arith.constant 0 : i32
    %cond3A_3 = arith.cmpi ne, %convert_element_type3A, %cond3A : i32
    scf.if %cond3A_3 {
      %get3A_58 = arith.constant 0 : index
      %get3A_59 = arith.constant 0 : index
      %get3A_60 = vector.load %arg2[%get3A_58, %get3A_59] : memref<512x64xf32, #tpu.memory_space<vmem>>, vector<512x64xf32>
      %broadcast_in_dim3A_61 = arith.constant 1.000000e+00 : f32
      %broadcast_in_dim3A_62 = vector.broadcast %broadcast_in_dim3A_61 : f32 to vector<64x1xf32>
      %mul3A_63 = arith.mulf %get3A_60, %get3A_60 : vector<512x64xf32>
      %dot_general3A_64 = arith.constant dense<0.000000e+00> : vector<512x1xf32>
      %dot_general3A_65 = tpu.matmul %mul3A_63, %broadcast_in_dim3A_62, %dot_general3A_64 {dimension_numbers = #tpu.dot_dimension_numbers<[1], [0], [0], [1], [0, 0, 1, 1], [], []>, precision = #tpu.contract_precision<fp32>, transpose_lhs_hint = false} : vector<512x64xf32>, vector<64x1xf32>, vector<512x1xf32> -> vector<512x1xf32>
      %swap3A_66 = arith.constant 0 : index
      %swap3A_67 = arith.constant 0 : index
      %swap3A_68 = vector.load %arg5[%swap3A_66, %swap3A_67] : memref<512x1xf32, #tpu.memory_space<vmem>>, vector<512x1xf32>
      tpu.vector_store %arg5[%swap3A_66, %swap3A_67], %dot_general3A_65 {strides = array<i32>} : memref<512x1xf32, #tpu.memory_space<vmem>>, vector<512x1xf32>,
      %convert_element_type3A_69 = arith.truncf %get3A_60 : vector<512x64xf32> to vector<512x64xbf16>
      %convert_element_type3A_70 = arith.extf %convert_element_type3A_69 : vector<512x64xbf16> to vector<512x64xf32>
      %sub3A_71 = arith.subf %get3A_60, %convert_element_type3A_70 : vector<512x64xf32>
      %convert_element_type3A_72 = arith.truncf %sub3A_71 : vector<512x64xf32> to vector<512x64xbf16>
      %swap3A_73 = arith.constant 0 : index
      %swap3A_74 = arith.constant 0 : index
      %swap3A_75 = vector.load %arg6[%swap3A_73, %swap3A_74] : memref<512x64xbf16, #tpu.memory_space<vmem>>, vector<512x64xbf16>
      tpu.vector_store %arg6[%swap3A_73, %swap3A_74], %convert_element_type3A_69 {strides = array<i32>} : memref<512x64xbf16, #tpu.memory_space<vmem>>, vector<512x64xbf16>,
      %swap3A_76 = arith.constant 0 : index
      %swap3A_77 = arith.constant 0 : index
      %swap3A_78 = vector.load %arg7[%swap3A_76, %swap3A_77] : memref<512x64xbf16, #tpu.memory_space<vmem>>, vector<512x64xbf16>
      tpu.vector_store %arg7[%swap3A_76, %swap3A_77], %convert_element_type3A_72 {strides = array<i32>} : memref<512x64xbf16, #tpu.memory_space<vmem>>, vector<512x64xbf16>,
      %broadcast_in_dim3A_79 = arith.constant 0.000000e+00 : f32
      %broadcast_in_dim3A_80 = vector.broadcast %broadcast_in_dim3A_79 : f32 to vector<1x64xf32>
      %swap3A_81 = arith.constant 0 : index
      %swap3A_82 = arith.constant 0 : index
      %swap3A_83 = vector.load %arg8[%swap3A_81, %swap3A_82] : memref<1x64xf32, #tpu.memory_space<vmem>>, vector<1x64xf32>
      tpu.vector_store %arg8[%swap3A_81, %swap3A_82], %broadcast_in_dim3A_80 {strides = array<i32>} : memref<1x64xf32, #tpu.memory_space<vmem>>, vector<1x64xf32>,
      %broadcast_in_dim3A_84 = arith.constant 0.000000e+00 : f32
      %broadcast_in_dim3A_85 = vector.broadcast %broadcast_in_dim3A_84 : f32 to vector<1x1024xf32>
      %swap3A_86 = arith.constant 0 : index
      %swap3A_87 = arith.constant 0 : index
      %swap3A_88 = vector.load %arg9[%swap3A_86, %swap3A_87] : memref<1x1024xf32, #tpu.memory_space<vmem>>, vector<1x1024xf32>
      tpu.vector_store %arg9[%swap3A_86, %swap3A_87], %broadcast_in_dim3A_85 {strides = array<i32>} : memref<1x1024xf32, #tpu.memory_space<vmem>>, vector<1x1024xf32>,
    } else {
    }
    %get3A_4 = arith.constant 0 : index
    %get3A_5 = arith.constant 0 : index
    %get3A_6 = vector.load %arg5[%get3A_4, %get3A_5] : memref<512x1xf32, #tpu.memory_space<vmem>>, vector<512x1xf32>
    %get3A_7 = arith.constant 0 : index
    %get3A_8 = arith.constant 0 : index
    %get3A_9 = vector.load %arg6[%get3A_7, %get3A_8] : memref<512x64xbf16, #tpu.memory_space<vmem>>, vector<512x64xbf16>
    %get3A_10 = arith.constant 0 : index
    %get3A_11 = arith.constant 0 : index
    %get3A_12 = vector.load %arg7[%get3A_10, %get3A_11] : memref<512x64xbf16, #tpu.memory_space<vmem>>, vector<512x64xbf16>
    %convert_element_type3A_13 = arith.truncf %get3A_1 : vector<1024x64xf32> to vector<1024x64xbf16>
    %convert_element_type3A_14 = arith.extf %convert_element_type3A_13 : vector<1024x64xbf16> to vector<1024x64xf32>
    %sub3A = arith.subf %get3A_1, %convert_element_type3A_14 : vector<1024x64xf32>
    %convert_element_type3A_15 = arith.truncf %sub3A : vector<1024x64xf32> to vector<1024x64xbf16>
    %dot_general3A = arith.constant dense<0.000000e+00> : vector<512x1024xf32>
    %dot_general3A_16 = tpu.matmul %get3A_9, %convert_element_type3A_13, %dot_general3A {dimension_numbers = #tpu.dot_dimension_numbers<[1], [1], [0], [0], [0, 0, 1, 0], [], []>, transpose_lhs_hint = false} : vector<512x64xbf16>, vector<1024x64xbf16>, vector<512x1024xf32> -> vector<512x1024xf32>
    %dot_general3A_17 = arith.constant dense<0.000000e+00> : vector<512x1024xf32>
    %dot_general3A_18 = tpu.matmul %get3A_9, %convert_element_type3A_15, %dot_general3A_17 {dimension_numbers = #tpu.dot_dimension_numbers<[1], [1], [0], [0], [0, 0, 1, 0], [], []>, transpose_lhs_hint = false} : vector<512x64xbf16>, vector<1024x64xbf16>, vector<512x1024xf32> -> vector<512x1024xf32>
    %add3A = arith.addf %dot_general3A_16, %dot_general3A_18 : vector<512x1024xf32>
    %dot_general3A_19 = arith.constant dense<0.000000e+00> : vector<512x1024xf32>
    %dot_general3A_20 = tpu.matmul %get3A_12, %convert_element_type3A_13, %dot_general3A_19 {dimension_numbers = #tpu.dot_dimension_numbers<[1], [1], [0], [0], [0, 0, 1, 0], [], []>, transpose_lhs_hint = false} : vector<512x64xbf16>, vector<1024x64xbf16>, vector<512x1024xf32> -> vector<512x1024xf32>
    %add3A_21 = arith.addf %add3A, %dot_general3A_20 : vector<512x1024xf32>
    %mul3A = arith.constant 2.000000e+00 : f32
    %mul3A_22 = vector.broadcast %mul3A : f32 to vector<512x1024xf32>
    %mul3A_23 = arith.mulf %mul3A_22, %add3A_21 : vector<512x1024xf32>
    %sub3A_24 = vector.broadcast %get3A_6 : vector<512x1xf32> to vector<512x1024xf32>
    %sub3A_25 = arith.subf %sub3A_24, %mul3A_23 : vector<512x1024xf32>
    %reduce_min3A = arith.constant dense<0x7F800000> : vector<1024xf32>
    %reduce_min3A_26 = vector.multi_reduction <minimumf>, %sub3A_25, %reduce_min3A [0] : vector<512x1024xf32> to vector<1024xf32>
    %iota3A = tpu.iota {dimensions = array<i32: 0>} : vector<512x1024xi32>
    %broadcast_in_dim3A = vector.shape_cast %reduce_min3A_26 : vector<1024xf32> to vector<1x1024xf32>
    %eq3A_27 = vector.broadcast %broadcast_in_dim3A : vector<1x1024xf32> to vector<512x1024xf32>
    %eq3A_28 = arith.cmpf oeq, %sub3A_25, %eq3A_27 : vector<512x1024xf32>
    %jit3A = arith.constant 1073741824 : i32
    %broadcast_in_dim3A_29 = vector.broadcast %jit3A : i32 to vector<512x1024xi32>
    %select_n3A = arith.select %eq3A_28, %iota3A, %broadcast_in_dim3A_29 : vector<512x1024xi1>, vector<512x1024xi32>
    %reduce_min3A_30 = arith.constant dense<2147483647> : vector<1024xi32>
    %reduce_min3A_31 = vector.multi_reduction <minsi>, %select_n3A, %reduce_min3A_30 [0] : vector<512x1024xi32> to vector<1024xi32>
    %reshape3A = vector.shape_cast %reduce_min3A_31 : vector<1024xi32> to vector<1x1x1024xi32>
    %swap3A = arith.constant 0 : index
    %swap3A_32 = arith.constant 0 : index
    %swap3A_33 = arith.constant 0 : index
    %swap3A_34 = vector.load %arg3[%swap3A, %swap3A_32, %swap3A_33] : memref<1x1x1024xi32, #tpu.memory_space<vmem>>, vector<1x1x1024xi32>
    tpu.vector_store %arg3[%swap3A, %swap3A_32, %swap3A_33], %reshape3A {strides = array<i32>} : memref<1x1x1024xi32, #tpu.memory_space<vmem>>, vector<1x1x1024xi32>,
    %get3A_35 = arith.constant 0 : index
    %get3A_36 = arith.constant 0 : index
    %get3A_37 = vector.load %arg8[%get3A_35, %get3A_36] : memref<1x64xf32, #tpu.memory_space<vmem>>, vector<1x64xf32>
    %mul3A_38 = arith.mulf %get3A_1, %get3A_1 : vector<1024x64xf32>
    %reduce_sum3A = arith.constant dense<0.000000e+00> : vector<64xf32>
    %reduce_sum3A_39 = vector.multi_reduction <add>, %mul3A_38, %reduce_sum3A [0] : vector<1024x64xf32> to vector<64xf32>
    %broadcast_in_dim3A_40 = vector.shape_cast %reduce_sum3A_39 : vector<64xf32> to vector<1x64xf32>
    %add3A_41 = arith.addf %get3A_37, %broadcast_in_dim3A_40 : vector<1x64xf32>
    %swap3A_42 = arith.constant 0 : index
    %swap3A_43 = arith.constant 0 : index
    %swap3A_44 = vector.load %arg8[%swap3A_42, %swap3A_43] : memref<1x64xf32, #tpu.memory_space<vmem>>, vector<1x64xf32>
    tpu.vector_store %arg8[%swap3A_42, %swap3A_43], %add3A_41 {strides = array<i32>} : memref<1x64xf32, #tpu.memory_space<vmem>>, vector<1x64xf32>,
    %get3A_45 = arith.constant 0 : index
    %get3A_46 = arith.constant 0 : index
    %get3A_47 = vector.load %arg9[%get3A_45, %get3A_46] : memref<1x1024xf32, #tpu.memory_space<vmem>>, vector<1x1024xf32>
    %broadcast_in_dim3A_48 = vector.shape_cast %reduce_min3A_26 : vector<1024xf32> to vector<1x1024xf32>
    %add3A_49 = arith.addf %get3A_47, %broadcast_in_dim3A_48 : vector<1x1024xf32>
    %swap3A_50 = arith.constant 0 : index
    %swap3A_51 = arith.constant 0 : index
    %swap3A_52 = vector.load %arg9[%swap3A_50, %swap3A_51] : memref<1x1024xf32, #tpu.memory_space<vmem>>, vector<1x1024xf32>
    tpu.vector_store %arg9[%swap3A_50, %swap3A_51], %add3A_49 {strides = array<i32>} : memref<1x1024xf32, #tpu.memory_space<vmem>>, vector<1x1024xf32>,
    %eq3A_53 = arith.constant 63 : i32
    %eq3A_54 = arith.cmpi eq, %arg0, %eq3A_53 : i32
    %convert_element_type3A_55 = arith.extui %eq3A_54 : i1 to i32
    %cond3A_56 = arith.constant 0 : i32
    %cond3A_57 = arith.cmpi ne, %convert_element_type3A_55, %cond3A_56 : i32
    scf.if %cond3A_57 {
      %get3A_58 = arith.constant 0 : index
      %get3A_59 = arith.constant 0 : index
      %get3A_60 = vector.load %arg8[%get3A_58, %get3A_59] : memref<1x64xf32, #tpu.memory_space<vmem>>, vector<1x64xf32>
      %reduce_sum3A_61 = vector.shape_cast %get3A_60 : vector<1x64xf32> to vector<1x1x64xf32>
      %reduce_sum3A_62 = arith.constant dense<0.000000e+00> : vector<1xf32>
      %reduce_sum3A_63 = vector.multi_reduction <add>, %reduce_sum3A_61, %reduce_sum3A_62 [1, 2] : vector<1x1x64xf32> to vector<1xf32>
      %reduce_sum3A_64 = vector.shape_cast %reduce_sum3A_63 : vector<1xf32> to vector<1x1x1xf32>
      %reduce_sum3A_65 = vector.extract %reduce_sum3A_64[0, 0, 0] : f32 from vector<1x1x1xf32>
      %get3A_66 = arith.constant 0 : index
      %get3A_67 = arith.constant 0 : index
      %get3A_68 = vector.load %arg9[%get3A_66, %get3A_67] : memref<1x1024xf32, #tpu.memory_space<vmem>>, vector<1x1024xf32>
      %reduce_sum3A_69 = vector.shape_cast %get3A_68 : vector<1x1024xf32> to vector<1x1x1024xf32>
      %reduce_sum3A_70 = arith.constant dense<0.000000e+00> : vector<1xf32>
      %reduce_sum3A_71 = vector.multi_reduction <add>, %reduce_sum3A_69, %reduce_sum3A_70 [1, 2] : vector<1x1x1024xf32> to vector<1xf32>
      %reduce_sum3A_72 = vector.shape_cast %reduce_sum3A_71 : vector<1xf32> to vector<1x1x1xf32>
      %reduce_sum3A_73 = vector.extract %reduce_sum3A_72[0, 0, 0] : f32 from vector<1x1x1xf32>
      %add3A_74 = arith.addf %reduce_sum3A_65, %reduce_sum3A_73 : f32
      %reshape3A_75 = vector.broadcast %add3A_74 : f32 to vector<1x1xf32>
      %swap3A_76 = arith.constant 0 : index
      %swap3A_77 = arith.constant 0 : index
      %swap3A_78 = vector.load %arg4[%swap3A_76, %swap3A_77] : memref<1x1xf32, #tpu.memory_space<vmem>>, vector<1x1xf32>
      tpu.vector_store %arg4[%swap3A_76, %swap3A_77], %reshape3A_75 {strides = array<i32>} : memref<1x1xf32, #tpu.memory_space<vmem>>, vector<1x1xf32>,
    } else {
    }
    return
  }
  func.func @transform_0(%arg0: i32) -> (i32, i32) {
    %c0_i32 = arith.constant 0 : i32
    %c0_i32_0 = arith.constant 0 : i32
    return %arg0, %c0_i32 : i32, i32
  }
  func.func @transform_1(%arg0: i32) -> (i32, i32) {
    %c0_i32 = arith.constant 0 : i32
    %c0_i32_0 = arith.constant 0 : i32
    %c0_i32_1 = arith.constant 0 : i32
    return %c0_i32, %c0_i32_0 : i32, i32
  }
  func.func @transform_2(%arg0: i32) -> (i32, i32, i32) {
    %c0_i32 = arith.constant 0 : i32
    %c0_i32_0 = arith.constant 0 : i32
    %c0_i32_1 = arith.constant 0 : i32
    return %arg0, %c0_i32, %c0_i32_0 : i32, i32, i32
  }
  func.func @transform_3(%arg0: i32) -> (i32, i32) {
    %c0_i32 = arith.constant 0 : i32
    %c0_i32_0 = arith.constant 0 : i32
    %c0_i32_1 = arith.constant 0 : i32
    return %c0_i32, %c0_i32_0 : i32, i32
  }
}

</mosaic_0001>

<sc_bundles>
// kernel: kernel.4.cloned.1.call-start
scs
__scs_entry_jumppad:
0x0: {  	(pc) =	sbr.rel $0x88, $3  }
0x1: {  	(tag) =	ssettag $0x0;
	lr =	simm.s32 $0x1  }
0x2: {  	[smem:$0x3F9F] =	sst lr;
	_ =	strace $0xD0000000  }
0x3: {  	_ = 	snop  }
0x4: {  	_ = 	snop  }
0x5: {  	_ = 	snop  }
0x6: {  	_ = 	snop  }
0x7: {  	_ = 	snop  }
__scs_overlays_trampoline_lowered:
0x8: {  	[smem:$0x3FAE] =	sst s0  }
0x9: {  	[smem:$0x3FAF] =	sst s1  }
0xa: {  	[smem:$0x3FB0] =	sst s2  }
0xb: {  	[smem:$0x3FB1] =	sst s3  }
0xc: {  	[smem:$0x3FB2] =	sst s4  }
0xd: {  	[smem:$0x3FB3] =	sst s5  }
0xe: {  	[smem:$0x3FB4] =	sst s6  }
0xf: {  	[smem:$0x3FB5] =	sst s7  }
0x10: {  	[smem:$0x3FB6] =	sst s8  }
0x11: {  	[smem:$0x3FB7] =	sst s9;
	s0 =	simm.s32 @!p0 $0x0  }
0x12: {  	s1 =	sld [smem:$0x3F9D];
	s0 =	simm.s32 @p0 $0x1  }
0x13: {  	[smem:$0x3FB8] =	sst s0;
	s0 =	simm.s32 @!p1 $0x0  }
0x14: {  	s2 =	sld [smem:$0x3F9C];
	s0 =	simm.s32 @p1 $0x1  }
0x15: {  	[smem:$0x3FB9] =	sst s0;
	s0 =	simm.s32 @!p2 $0x0  }
0x16: {  	s3 =	sld [smem:$0x3FDB];
	s0 =	simm.s32 @p2 $0x1  }
0x17: {  	s4 =	simm.s32 $0x1BF5;
	[smem:$0x3FBB] =	sst s0  }
0x18: {  	s0 =	sld [smem:$0x3F9E];
	_ =	swait.ge [sflag:s4], $0x0  }
0x19: {  	s7 =	sld [smem:$0x3F9F]  }
0x1a: {  	s8 =	sadd.s32 $0xFFFFE003, lr  }
0x1b: {  	s9 =	sadd.s32 $0xFFFFFEF7, lr;
	s5 =	simm.s32 $0xFFFFFFFF;
	p2 =	slt.u32 s8, $0xFFFFF086  }
0x1c: {  	p1 =	slt.u32 s9, $0xF7A;
	s5 =	simm.s32 @!p2 $0x0  }
0x1d: {  	s5 =	simm.s32 @p1 $0x1;
	p0 =	seq.s32 s7, s2  }
0x1e: {  	s7 =	smul.u32 @!p0 $0xF7A, s2;
	p2 =	seq.s32 @!p0 s5, $0x0  }
0x1f: {  	s9 =	smul.u32 $0xF7A, s1;
	s8 =	simm.s32 @!p0 $0x1BF5;
	p2 =	por !p2, p0  }
0x20: {  	[sflag:s8] =	ssyncset.s32 @!p0 $0xFFFFF086;
	s6 =	sadd.s32 @!p0 s3, s7;
	s7 =	simm.s32 @!p0 $0x108  }
0x21: {  	s3 =	sadd.s32 s3, s9;
	s6 =	sadd.s32 @!p0 $0x88, s6;
	s7 =	simm.s32 @p2 $0x1082  }
0x22: {  	[simem:s7], [sflag:s8] =	dma.local @!p0 [hbm:s6], $0xF7A  }
0x23: {  	s9 =	sor.u32 $0xD0000000, s2;
	s6 =	simm.s32 $0x108;
	_ =	swait.ge @!p0 [sflag:s8], $0x0  }
0x24: {  	s3 =	sadd.s32 $0x88, s3;
	s6 =	simm.s32 @!p1 $0x1082;
	[sflag:s4] =	ssyncset.s32 $0xFFFFF086  }
0x25: {  	[simem:s6], [sflag:s4] =	dma.local [hbm:s3], $0xF7A  }
0x26: {  	[smem:$0x3F9F] =	sst s1;
	(tag) =	ssettag s2;
	_ =	strace s9  }
0x27: {  	s1 =	sld [smem:$0x3FAF]  }
0x28: {  	s2 =	sld [smem:$0x3FB0]  }
0x29: {  	s4 =	sld [smem:$0x3FB2]  }
0x2a: {  	p0 =	seq.s32 s5, $0x0;
	s5 =	sld [smem:$0x3FB3]  }
0x2b: {  	s6 =	sld [smem:$0x3FB4]  }
0x2c: {  	s7 =	sld [smem:$0x3FB5]  }
0x2d: {  	s3 =	simm.s32 $0x108;
	s8 =	sld [smem:$0x3FB6]  }
0x2e: {  	s3 =	simm.s32 @!p0 $0x1082;
	s9 =	sld [smem:$0x3FB7]  }
0x2f: {  	lr =	sadd.s32 s0, s3;
	s0 =	sld [smem:$0x3FAE]  }
0x30: {  	s3 =	sld [smem:$0x3FB1]  }
0x31: {  	[smem:$0x3FBA] =	sst s10  }
0x32: {  	s10 =	sld [smem:$0x3FB8];
	_ =	sdelay $0x3  }
0x33: {  	p0 =	seq.s32 s10, $0x1;
	s10 =	sld [smem:$0x3FBA];
	_ =	sdelay $0x3  }
0x34: {  	[smem:$0x3FBA] =	sst s10  }
0x35: {  	s10 =	sld [smem:$0x3FB9];
	_ =	sdelay $0x3  }
0x36: {  	p1 =	seq.s32 s10, $0x1;
	s10 =	sld [smem:$0x3FBA];
	_ =	sdelay $0x3  }
0x37: {  	[smem:$0x3FBA] =	sst s10  }
0x38: {  	s10 =	sld [smem:$0x3FBB]  }
0x39: {  	_ = 	snop;
	(pc) =	sbr.ind lr, $3  }
0x3a: {  	_ = 	snop  }
0x3b: {  	_ = 	snop  }
0x3c: {  	p2 =	seq.s32 s10, $0x1;
	s10 =	sld [smem:$0x3FBA]  }
0x3d: {  	_ =	shalt  }
0x3e: {  	_ =	shalt  }
0x3f: {  	_ =	shalt  }
0x40: {  	_ =	shalt  }
0x41: {  	_ =	shalt  }
0x42: {  	_ =	shalt  }
0x43: {  	_ =	shalt  }
0x44: {  	_ =	shalt  }
0x45: {  	_ =	shalt  }
0x46: {  	_ =	shalt  }
0x47: {  	_ =	shalt  }
0x48: {  	_ =	shalt  }
0x49: {  	_ =	shalt  }
0x4a: {  	_ =	shalt  }
0x4b: {  	_ =	shalt  }
0x4c: {  	_ =	shalt  }
0x4d: {  	_ =	shalt  }
0x4e: {  	_ =	shalt  }
0x4f: {  	_ =	shalt  }
0x50: {  	_ =	shalt  }
0x51: {  	_ =	shalt  }
0x52: {  	_ =	shalt  }
0x53: {  	_ =	shalt  }
0x54: {  	_ =	shalt  }
0x55: {  	_ =	shalt  }
0x56: {  	_ =	shalt  }
0x57: {  	_ =	shalt  }
0x58: {  	_ =	shalt  }
0x59: {  	_ =	shalt  }
0x5a: {  	_ =	shalt  }
0x5b: {  	_ =	shalt  }
0x5c: {  	_ =	shalt  }
0x5d: {  	_ =	shalt  }
0x5e: {  	_ =	shalt  }
0x5f: {  	_ =	shalt  }
0x60: {  	_ =	shalt  }
0x61: {  	_ =	shalt  }
0x62: {  	_ =	shalt  }
0x63: {  	_ =	shalt  }
0x64: {  	_ =	shalt  }
0x65: {  	_ =	shalt  }
0x66: {  	_ =	shalt  }
0x67: {  	_ =	shalt  }
0x68: {  	_ =	shalt  }
0x69: {  	_ =	shalt  }
0x6a: {  	_ =	shalt  }
0x6b: {  	_ =	shalt  }
0x6c: {  	_ =	shalt  }
0x6d: {  	_ =	shalt  }
0x6e: {  	_ =	shalt  }
0x6f: {  	_ =	shalt  }
0x70: {  	_ =	shalt  }
0x71: {  	_ =	shalt  }
0x72: {  	_ =	shalt  }
0x73: {  	_ =	shalt  }
0x74: {  	_ =	shalt  }
0x75: {  	_ =	shalt  }
0x76: {  	_ =	shalt  }
0x77: {  	_ =	shalt  }
0x78: {  	_ =	shalt  }
0x79: {  	_ =	shalt  }
0x7a: {  	_ =	shalt  }
0x7b: {  	_ =	shalt  }
0x7c: {  	_ =	shalt  }
0x7d: {  	_ =	shalt  }
0x7e: {  	_ =	shalt  }
0x7f: {  	_ =	shalt  }
0x80: {  	_ =	shalt  }
0x81: {  	_ =	shalt  }
0x82: {  	_ =	shalt  }
0x83: {  	_ =	shalt  }
0x84: {  	_ =	shalt  }
0x85: {  	_ =	shalt  }
0x86: {  	_ =	shalt  }
0x87: {  	_ =	shalt  }
.Lfunc_end0:
.L_simem_size_0:
called_computation_lowered:
.L_overlay_start_0:
0x88: {  	s2 =	sld [smem:$0x3FD9]  }
0x89: {  	s3 =	sld [smem:$0x3FFE];
	_ =	sdelay $0x1  }
0x8a: {  	s1 =	srdreg.scid  }
0x8b: {  	s0 =	sand.u32 $0x1, s1  }
0x8c: {  	s14 =	sshll.u32 s0, $0xA;
	s2 =	sadd.s32 s3, s2  }
0x8d: {  	s2 =	sadd.s32 s2, s14  }
0x8e: {  	[smem:$0x3FC6] =	sst s2  }
0x8f: {  	_ = 	snop  }
0x90: {  	s2 =	sld [smem:$0x3FD0];
	_ =	sdelay $0x2  }
0x91: {  	s15 =	simm.s32 $0xA;
	s4 =	simm.s32 $0x10  }
0x92: {  	[smem:s4], [sflag:s15] =	dma.local [hbm:s2], $0x1  }
0x93: {  	_ =	swait.eq [sflag:s15], $0x1  }
0x94: {  	[sflag:s15] =	ssyncset.done $0x0  }
0x95: {  	[sflag:s15] =	ssyncadd.s32 $0xFFFFFFFF  }
0x96: {  	s16 =	sld [smem:$0x10];
	(tm) =	ssettm $0x1  }
0x97: {  	s17 =	sld [smem:$0x3FFB];
	_ =	sdelay $0x3  }
0x98: {  	_ =	strace s17  }
0x99: {  	s3 =	sld [smem:$0x3FFC];
	_ =	sdelay $0x3  }
0x9a: {  	_ =	strace s3  }
0x9b: {  	s3 =	sld [smem:$0x3FFD];
	_ =	sdelay $0x3  }
0x9c: {  	_ =	strace s3  }
0x9d: {  	_ =	strace $0x8FFFFFFF  }
0x9e: {  	s18 =	sld [smem:$0x3FDB];
	_ =	sdelay $0x1  }
0x9f: {  	s19 =	simm.s32 $_scs_section_size  }
0xa0: {  	s5 =	simm.s32 $_size__tile_overlayer_lowered;
	s6 =	simm.s32 $_tile_overlayer_lowered  }
0xa1: {  	s22 =	simm.s32 $0x1BFF;
	s21 =	sshll.u32 s6, $0x1;
	s3 =	sadd.s32 s19, s18  }
0xa2: {  	s7 =	simm.s32 $0x0;
	s20 =	sshll.u32 s5, $0x1;
	s5 =	sadd.s32 s21, s3  }
0xa3: {  	[timem:s7], [sflag:s22] =	dma.local [hbm:s5], s20  }
0xa4: {  	_ =	swait.ge [sflag:s22], s20  }
0xa5: {  	s4 =	ssub.s32 $0x0, s20;
	[sflag:s22] =	ssyncset.done $0x0  }
0xa6: {  	[sflag:s22] =	ssyncadd.s32 s4;
	_ =	sdelay $0x1  }
0xa7: {  	s23 =	simm.s32 $0x1B8B  }
0xa8: {  	_ =	swait.ge [sflag:s23], $0x1  }
0xa9: {  	[sflag:s23] =	ssyncset.done $0x0  }
0xaa: {  	s25 =	simm.s32 $0x1B8E;
	s24 =	sld [smem:$0x3FFE];
	[sflag:s23] =	ssyncadd.s32 $0xFFFFFFFF  }
0xab: {  	s26 =	simm.s32 $execute0_lowered;
	[smem:$0x3FD2] =	sst s25  }
0xac: {  	s5 =	sshll.u32 s26, $0x1;
	_ =	strace $0x80000046;
	[dreg:$0x1] =	wrdreg $0xFFFFFFFF  }
0xad: {  	s28 =	simm.s32 $_size_execute0_lowered;
	s3 =	sadd.s32 s3, s5;
	[dreg:$0x0] =	wrdreg $0x0  }
0xae: {  	s5 =	sshll.u32 s28, $0x1;
	[dreg:$0x2] =	wrdreg s3  }
0xaf: {  	[dreg:$0x3] =	wrdreg s5  }
0xb0: {  	[dreg:$0x4] =	wrdreg $0xC0  }
0xb1: {  	_ =	task [dreg:s7], $0x5FFFF  }
0xb2: {  	[dreg:$0x1] =	wrdreg $0xFFFFFFFF  }
0xb3: {  	[dreg:$0x0] =	wrdreg $0x60  }
0xb4: {  	[dreg:$0x2] =	wrdreg s24  }
0xb5: {  	[dreg:$0x3] =	wrdreg s16  }
0xb6: {  	[dreg:$0x4] =	wrdreg $0x9  }
0xb7: {  	_ =	task.clear_ibuf [dreg:s7], $0x5FFFF;
	_ =	strace $0x90000046  }
0xb8: {  	s29 =	simm.s32 $0x9;
	_ =	strace $0x80000048  }
0xb9: {  	_ =	swait.ge [sflag:s29], $0x1  }
0xba: {  	[sflag:s29] =	ssyncadd.s32 $0xFFFFFFFF  }
0xbb: {  	_ =	strace $0x90000048  }
0xbc: {  	_ =	sfence  }
0xbd: {  	s30 =	sld [smem:$0x0];
	_ =	sdelay $0x2  }
0xbe: {  	s31 =	sshll.u32 s1, $0xD;
	s1 =	sshrl.u32 s1, $0x2  }
0xbf: {  	s3 =	sand.u32 $0x4000, s31;
	s1 =	sadd.s32 s1, s30  }
0xc0: {  	s0 =	sor.u32 s3, s0;
	s1 =	sshll.u32 s1, $0x11  }
0xc1: {  	s0 =	sor.u32 s1, s0  }
0xc2: {  	s0 =	sadd.s32 $0x8F2B, s0  }
0xc3: {  	[sflag:s0] =	ssyncadd.remote.s32 $0x1  }
0xc4: {  	_ =	sfence.sel $0xFFFF  }
0xc5: {  	[dreg:$0x0] =	wrdreg $0xFFFFFFFF;
	(pc) =	sbr.abs _section_cstart, $3  }
0xc6: {  	[dreg:$0x1] =	wrdreg $0xFFFFFFFF  }
0xc7: {  	_ =	task.clear_ibuf [dreg:s7], $0x2FFFF;
	_ =	strace $0x9FFFFFFF  }
0xc8: {  	(tm) =	ssettm $0x7FFFFFFF  }
0xc9: {  	_ =	shalt  }
tec
execute0_lowered:
.L_overlay_start_1:
0x0: {  	(tag) =	ssettag $0x1  }
0x1: {  	s4 =	rddreg [dreg:$0x0]  }
0x2: {  	s30 =	rddreg [dreg:$0x1];
	s0 =	srdreg.scid;
	s2 =	simm.s32 $0x0  }
0x3: {  	s1 =	stileid.u32;
	s3 =	sand.u32 $0x1, s0;
	[smem:$0x7FF] =	sst s2  }
0x4: {  	s5 =	sshll.u32 s1, $0xC;
	[dreg:$0xb] =	wrdreg s3;
	s6 =	sshll.u32 s3, $0xB  }
0x5: {  	s0 =	sadd.s32 $0x1A00, s4;
	s1 =	sor.u32 s6, s5;
	_ =	strace $0x80000047  }
0x6: {  	[dreg:$0xc] =	wrdreg s0;
	s7 =	sshrl.u32 s1, $0x3;
	s5 =	sshll.u32 s1, $0x3  }
0x7: {  	s9 =	sor.u32 $0x80, s1;
	s6 =	sor.u32 $0x100, s1;
	s3 =	sadd.s32 s30, s7  }
0x8: {  	s8 =	sadd.s32 s0, s5;
	s10 =	sshrl.u32 s9, $0x3;
	[dreg:$0x3] =	wrdreg s3  }
0x9: {  	s5 =	sshll.u32 s9, $0x3;
	[dreg:$0x4] =	wrdreg s8;
	s3 =	sadd.s32 s30, s10  }
0xa: {  	s12 =	sshrl.u32 s6, $0x3;
	s11 =	sadd.s32 s0, s5;
	[dreg:$0x5] =	wrdreg s3  }
0xb: {  	s14 =	sshll.u32 s6, $0x3;
	s13 =	sadd.s32 s30, s12;
	[dreg:$0x6] =	wrdreg s11  }
0xc: {  	s16 =	sor.u32 $0x180, s1;
	s15 =	sadd.s32 s0, s14;
	[dreg:$0x7] =	wrdreg s13  }
0xd: {  	s17 =	sshrl.u32 s16, $0x3;
	[dreg:$0x8] =	wrdreg s15  }
0xe: {  	s5 =	sshll.u32 s16, $0x3;
	s3 =	sadd.s32 s30, s17;
	s18 =	rddreg [dreg:$0x3]  }
0xf: {  	s19 =	sadd.s32 s0, s5;
	[dreg:$0x9] =	wrdreg s3  }
0x10: {  	[dreg:$0xa] =	wrdreg s19;
	s3 =	simm.s32 $0x2  }
0x11: {  	[tilespmem:s2], [sflag:$0x2] =	stream.linear.gather [hbm4b:s18+s2], $0x80, $0x38;
	[tilespmem:$0x2080] =	vst v63  }
0x12: {  	_ =	swait.ge [sflag:s3], $0x80  }
0x13: {  	s4 =	sadd.s32 $0xA00, s4;
	[sflag:s3] =	ssyncset.done $0x0  }
0x14: {  	s6 =	simm.s32 $0x1;
	s5 =	simm.s32 $0x80;
	[sflag:s3] =	ssyncadd.s32 $0xFFFFFF80  }
0x15: {  	[tilespmem:s5], [sflag:$0x1] =	stream.indirect.gather [hbm4b:s4+s5], $0x40, s2, s5, $0xb8;
	[tilespmem:$0x2080] =	vst v63  }
0x16: {  	_ =	swait.ge [sflag:s6], $0x2000  }
0x17: {  	[sflag:s6] =	ssyncset.done $0x0  }
0x18: {  	s7 =	rddreg [dreg:$0x4];
	[sflag:s6] =	ssyncadd.s32 $0xFFFFE000  }
0x19: {  	[hbm4b:s7+s2] =	stream.linear.scatter [tilespmem:s5], [sflag:$0x2], $0x2000, $0x38;
	[tilespmem:$0x2080] =	vst v63  }
0x1a: {  	_ =	swait.ge [sflag:s3], $0x2000  }
0x1b: {  	[sflag:s3] =	ssyncset.done $0x0  }
0x1c: {  	s20 =	rddreg [dreg:$0x5];
	[sflag:s3] =	ssyncadd.s32 $0xFFFFE000  }
0x1d: {  	[tilespmem:s2], [sflag:$0x2] =	stream.linear.gather [hbm4b:s20+s2], $0x80, $0x38;
	[tilespmem:$0x2080] =	vst v63  }
0x1e: {  	_ =	swait.ge [sflag:s3], $0x80  }
0x1f: {  	[sflag:s3] =	ssyncset.done $0x0  }
0x20: {  	[sflag:s3] =	ssyncadd.s32 $0xFFFFFF80  }
0x21: {  	[tilespmem:s5], [sflag:$0x1] =	stream.indirect.gather [hbm4b:s4+s5], $0x40, s2, s5, $0xb8;
	[tilespmem:$0x2080] =	vst v63  }
0x22: {  	_ =	swait.ge [sflag:s6], $0x2000  }
0x23: {  	[sflag:s6] =	ssyncset.done $0x0  }
0x24: {  	s21 =	rddreg [dreg:$0x6];
	[sflag:s6] =	ssyncadd.s32 $0xFFFFE000  }
0x25: {  	[hbm4b:s21+s2] =	stream.linear.scatter [tilespmem:s5], [sflag:$0x2], $0x2000, $0x38;
	[tilespmem:$0x2080] =	vst v63  }
0x26: {  	_ =	swait.ge [sflag:s3], $0x2000  }
0x27: {  	[sflag:s3] =	ssyncset.done $0x0  }
0x28: {  	s22 =	rddreg [dreg:$0x7];
	[sflag:s3] =	ssyncadd.s32 $0xFFFFE000  }
0x29: {  	[tilespmem:s2], [sflag:$0x2] =	stream.linear.gather [hbm4b:s22+s2], $0x80, $0x38;
	[tilespmem:$0x2080] =	vst v63  }
0x2a: {  	_ =	swait.ge [sflag:s3], $0x80  }
0x2b: {  	[sflag:s3] =	ssyncset.done $0x0  }
0x2c: {  	[sflag:s3] =	ssyncadd.s32 $0xFFFFFF80  }
0x2d: {  	[tilespmem:s5], [sflag:$0x1] =	stream.indirect.gather [hbm4b:s4+s5], $0x40, s2, s5, $0xb8;
	[tilespmem:$0x2080] =	vst v63  }
0x2e: {  	_ =	swait.ge [sflag:s6], $0x2000  }
0x2f: {  	[sflag:s6] =	ssyncset.done $0x0  }
0x30: {  	s23 =	rddreg [dreg:$0x8];
	[sflag:s6] =	ssyncadd.s32 $0xFFFFE000  }
0x31: {  	[hbm4b:s23+s2] =	stream.linear.scatter [tilespmem:s5], [sflag:$0x2], $0x2000, $0x38;
	[tilespmem:$0x2080] =	vst v63  }
0x32: {  	_ =	swait.ge [sflag:s3], $0x2000  }
0x33: {  	[sflag:s3] =	ssyncset.done $0x0  }
0x34: {  	s24 =	rddreg [dreg:$0x9];
	[sflag:s3] =	ssyncadd.s32 $0xFFFFE000  }
0x35: {  	[tilespmem:s2], [sflag:$0x2] =	stream.linear.gather [hbm4b:s24+s2], $0x80, $0x38;
	[tilespmem:$0x2080] =	vst v63  }
0x36: {  	_ =	swait.ge [sflag:s3], $0x80  }
0x37: {  	[sflag:s3] =	ssyncset.done $0x0  }
0x38: {  	[sflag:s3] =	ssyncadd.s32 $0xFFFFFF80  }
0x39: {  	[tilespmem:s5], [sflag:$0x1] =	stream.indirect.gather [hbm4b:s4+s5], $0x40, s2, s5, $0xb8;
	[tilespmem:$0x2080] =	vst v63  }
0x3a: {  	_ =	swait.ge [sflag:s6], $0x2000  }
0x3b: {  	[sflag:s6] =	ssyncset.done $0x0  }
0x3c: {  	s25 =	rddreg [dreg:$0xa];
	[sflag:s6] =	ssyncadd.s32 $0xFFFFE000  }
0x3d: {  	[hbm4b:s25+s2] =	stream.linear.scatter [tilespmem:s5], [sflag:$0x2], $0x2000, $0x38;
	[tilespmem:$0x2080] =	vst v63  }
0x3e: {  	s8 =	sor.u32 $0x200, s1;
	_ =	swait.ge [sflag:s3], $0x2000  }
0x3f: {  	s26 =	sshrl.u32 s8, $0x3;
	[sflag:s3] =	ssyncset.done $0x0  }
0x40: {  	s7 =	sadd.s32 s30, s26;
	[sflag:s3] =	ssyncadd.s32 $0xFFFFE000  }
0x41: {  	[tilespmem:s2], [sflag:$0x2] =	stream.linear.gather [hbm4b:s7+s2], $0x80, $0x38;
	[tilespmem:$0x2080] =	vst v63  }
0x42: {  	_ =	swait.ge [sflag:s3], $0x80  }
0x43: {  	[sflag:s3] =	ssyncset.done $0x0  }
0x44: {  	[sflag:s3] =	ssyncadd.s32 $0xFFFFFF80  }
0x45: {  	[tilespmem:s5], [sflag:$0x1] =	stream.indirect.gather [hbm4b:s4+s5], $0x40, s2, s5, $0xb8;
	[tilespmem:$0x2080] =	vst v63  }
0x46: {  	_ =	swait.ge [sflag:s6], $0x2000  }
0x47: {  	s8 =	sshll.u32 s8, $0x3;
	[sflag:s6] =	ssyncset.done $0x0  }
0x48: {  	s8 =	sadd.s32 s0, s8;
	[sflag:s6] =	ssyncadd.s32 $0xFFFFE000  }
0x49: {  	[hbm4b:s8+s2] =	stream.linear.scatter [tilespmem:s5], [sflag:$0x2], $0x2000, $0x38;
	[tilespmem:$0x2080] =	vst v63  }
0x4a: {  	s10 =	sor.u32 $0x280, s1;
	_ =	swait.ge [sflag:s3], $0x2000  }
0x4b: {  	s9 =	sshrl.u32 s10, $0x3;
	[sflag:s3] =	ssyncset.done $0x0  }
0x4c: {  	s9 =	sadd.s32 s30, s9;
	[sflag:s3] =	ssyncadd.s32 $0xFFFFE000  }
0x4d: {  	[tilespmem:s2], [sflag:$0x2] =	stream.linear.gather [hbm4b:s9+s2], $0x80, $0x38;
	[tilespmem:$0x2080] =	vst v63  }
0x4e: {  	_ =	swait.ge [sflag:s3], $0x80  }
0x4f: {  	[sflag:s3] =	ssyncset.done $0x0  }
0x50: {  	[sflag:s3] =	ssyncadd.s32 $0xFFFFFF80  }
0x51: {  	[tilespmem:s5], [sflag:$0x1] =	stream.indirect.gather [hbm4b:s4+s5], $0x40, s2, s5, $0xb8;
	[tilespmem:$0x2080] =	vst v63  }
0x52: {  	_ =	swait.ge [sflag:s6], $0x2000  }
0x53: {  	s10 =	sshll.u32 s10, $0x3;
	[sflag:s6] =	ssyncset.done $0x0  }
0x54: {  	s10 =	sadd.s32 s0, s10;
	[sflag:s6] =	ssyncadd.s32 $0xFFFFE000  }
0x55: {  	[hbm4b:s10+s2] =	stream.linear.scatter [tilespmem:s5], [sflag:$0x2], $0x2000, $0x38;
	[tilespmem:$0x2080] =	vst v63  }
0x56: {  	s12 =	sor.u32 $0x300, s1;
	_ =	swait.ge [sflag:s3], $0x2000  }
0x57: {  	s11 =	sshrl.u32 s12, $0x3;
	[sflag:s3] =	ssyncset.done $0x0  }
0x58: {  	s11 =	sadd.s32 s30, s11;
	[sflag:s3] =	ssyncadd.s32 $0xFFFFE000  }
0x59: {  	[tilespmem:s2], [sflag:$0x2] =	stream.linear.gather [hbm4b:s11+s2], $0x80, $0x38;
	[tilespmem:$0x2080] =	vst v63  }
0x5a: {  	_ =	swait.ge [sflag:s3], $0x80  }
0x5b: {  	[sflag:s3] =	ssyncset.done $0x0  }
0x5c: {  	[sflag:s3] =	ssyncadd.s32 $0xFFFFFF80  }
0x5d: {  	[tilespmem:s5], [sflag:$0x1] =	stream.indirect.gather [hbm4b:s4+s5], $0x40, s2, s5, $0xb8;
	[tilespmem:$0x2080] =	vst v63  }
0x5e: {  	_ =	swait.ge [sflag:s6], $0x2000  }
0x5f: {  	s12 =	sshll.u32 s12, $0x3;
	[sflag:s6] =	ssyncset.done $0x0  }
0x60: {  	s12 =	sadd.s32 s0, s12;
	[sflag:s6] =	ssyncadd.s32 $0xFFFFE000  }
0x61: {  	[hbm4b:s12+s2] =	stream.linear.scatter [tilespmem:s5], [sflag:$0x2], $0x2000, $0x38;
	[tilespmem:$0x2080] =	vst v63  }
0x62: {  	s14 =	sor.u32 $0x380, s1;
	_ =	swait.ge [sflag:s3], $0x2000  }
0x63: {  	s13 =	sshrl.u32 s14, $0x3;
	[sflag:s3] =	ssyncset.done $0x0  }
0x64: {  	s13 =	sadd.s32 s30, s13;
	[sflag:s3] =	ssyncadd.s32 $0xFFFFE000  }
0x65: {  	[tilespmem:s2], [sflag:$0x2] =	stream.linear.gather [hbm4b:s13+s2], $0x80, $0x38;
	[tilespmem:$0x2080] =	vst v63  }
0x66: {  	_ =	swait.ge [sflag:s3], $0x80  }
0x67: {  	[sflag:s3] =	ssyncset.done $0x0  }
0x68: {  	[sflag:s3] =	ssyncadd.s32 $0xFFFFFF80  }
0x69: {  	[tilespmem:s5], [sflag:$0x1] =	stream.indirect.gather [hbm4b:s4+s5], $0x40, s2, s5, $0xb8;
	[tilespmem:$0x2080] =	vst v63  }
0x6a: {  	_ =	swait.ge [sflag:s6], $0x2000  }
0x6b: {  	s14 =	sshll.u32 s14, $0x3;
	[sflag:s6] =	ssyncset.done $0x0  }
0x6c: {  	s14 =	sadd.s32 s0, s14;
	[sflag:s6] =	ssyncadd.s32 $0xFFFFE000  }
0x6d: {  	[hbm4b:s14+s2] =	stream.linear.scatter [tilespmem:s5], [sflag:$0x2], $0x2000, $0x38;
	[tilespmem:$0x2080] =	vst v63  }
0x6e: {  	s16 =	sor.u32 $0x400, s1;
	_ =	swait.ge [sflag:s3], $0x2000  }
0x6f: {  	s15 =	sshrl.u32 s16, $0x3;
	[sflag:s3] =	ssyncset.done $0x0  }
0x70: {  	s15 =	sadd.s32 s30, s15;
	[sflag:s3] =	ssyncadd.s32 $0xFFFFE000  }
0x71: {  	[tilespmem:s2], [sflag:$0x2] =	stream.linear.gather [hbm4b:s15+s2], $0x80, $0x38;
	[tilespmem:$0x2080] =	vst v63  }
0x72: {  	_ =	swait.ge [sflag:s3], $0x80  }
0x73: {  	[sflag:s3] =	ssyncset.done $0x0  }
0x74: {  	[sflag:s3] =	ssyncadd.s32 $0xFFFFFF80  }
0x75: {  	[tilespmem:s5], [sflag:$0x1] =	stream.indirect.gather [hbm4b:s4+s5], $0x40, s2, s5, $0xb8;
	[tilespmem:$0x2080] =	vst v63  }
0x76: {  	_ =	swait.ge [sflag:s6], $0x2000  }
0x77: {  	s16 =	sshll.u32 s16, $0x3;
	[sflag:s6] =	ssyncset.done $0x0  }
0x78: {  	s16 =	sadd.s32 s0, s16;
	[sflag:s6] =	ssyncadd.s32 $0xFFFFE000  }
0x79: {  	[hbm4b:s16+s2] =	stream.linear.scatter [tilespmem:s5], [sflag:$0x2], $0x2000, $0x38;
	[tilespmem:$0x2080] =	vst v63  }
0x7a: {  	s18 =	sor.u32 $0x480, s1;
	_ =	swait.ge [sflag:s3], $0x2000  }
0x7b: {  	s17 =	sshrl.u32 s18, $0x3;
	[sflag:s3] =	ssyncset.done $0x0  }
0x7c: {  	s17 =	sadd.s32 s30, s17;
	[sflag:s3] =	ssyncadd.s32 $0xFFFFE000  }
0x7d: {  	[tilespmem:s2], [sflag:$0x2] =	stream.linear.gather [hbm4b:s17+s2], $0x80, $0x38;
	[tilespmem:$0x2080] =	vst v63  }
0x7e: {  	_ =	swait.ge [sflag:s3], $0x80  }
0x7f: {  	[sflag:s3] =	ssyncset.done $0x0  }
0x80: {  	[sflag:s3] =	ssyncadd.s32 $0xFFFFFF80  }
0x81: {  	[tilespmem:s5], [sflag:$0x1] =	stream.indirect.gather [hbm4b:s4+s5], $0x40, s2, s5, $0xb8;
	[tilespmem:$0x2080] =	vst v63  }
0x82: {  	_ =	swait.ge [sflag:s6], $0x2000  }
0x83: {  	s18 =	sshll.u32 s18, $0x3;
	[sflag:s6] =	ssyncset.done $0x0  }
0x84: {  	s18 =	sadd.s32 s0, s18;
	[sflag:s6] =	ssyncadd.s32 $0xFFFFE000  }
0x85: {  	[hbm4b:s18+s2] =	stream.linear.scatter [tilespmem:s5], [sflag:$0x2], $0x2000, $0x38;
	[tilespmem:$0x2080] =	vst v63  }
0x86: {  	s20 =	sor.u32 $0x500, s1;
	_ =	swait.ge [sflag:s3], $0x2000  }
0x87: {  	s19 =	sshrl.u32 s20, $0x3;
	[sflag:s3] =	ssyncset.done $0x0  }
0x88: {  	s19 =	sadd.s32 s30, s19;
	[sflag:s3] =	ssyncadd.s32 $0xFFFFE000  }
0x89: {  	[tilespmem:s2], [sflag:$0x2] =	stream.linear.gather [hbm4b:s19+s2], $0x80, $0x38;
	[tilespmem:$0x2080] =	vst v63  }
0x8a: {  	_ =	swait.ge [sflag:s3], $0x80  }
0x8b: {  	[sflag:s3] =	ssyncset.done $0x0  }
0x8c: {  	[sflag:s3] =	ssyncadd.s32 $0xFFFFFF80  }
0x8d: {  	[tilespmem:s5], [sflag:$0x1] =	stream.indirect.gather [hbm4b:s4+s5], $0x40, s2, s5, $0xb8;
	[tilespmem:$0x2080] =	vst v63  }
0x8e: {  	_ =	swait.ge [sflag:s6], $0x2000  }
0x8f: {  	s20 =	sshll.u32 s20, $0x3;
	[sflag:s6] =	ssyncset.done $0x0  }
0x90: {  	s20 =	sadd.s32 s0, s20;
	[sflag:s6] =	ssyncadd.s32 $0xFFFFE000  }
0x91: {  	[hbm4b:s20+s2] =	stream.linear.scatter [tilespmem:s5], [sflag:$0x2], $0x2000, $0x38;
	[tilespmem:$0x2080] =	vst v63  }
0x92: {  	s22 =	sor.u32 $0x580, s1;
	_ =	swait.ge [sflag:s3], $0x2000  }
0x93: {  	s21 =	sshrl.u32 s22, $0x3;
	[sflag:s3] =	ssyncset.done $0x0  }
0x94: {  	s21 =	sadd.s32 s30, s21;
	[sflag:s3] =	ssyncadd.s32 $0xFFFFE000  }
0x95: {  	[tilespmem:s2], [sflag:$0x2] =	stream.linear.gather [hbm4b:s21+s2], $0x80, $0x38;
	[tilespmem:$0x2080] =	vst v63  }
0x96: {  	_ =	swait.ge [sflag:s3], $0x80  }
0x97: {  	[sflag:s3] =	ssyncset.done $0x0  }
0x98: {  	[sflag:s3] =	ssyncadd.s32 $0xFFFFFF80  }
0x99: {  	[tilespmem:s5], [sflag:$0x1] =	stream.indirect.gather [hbm4b:s4+s5], $0x40, s2, s5, $0xb8;
	[tilespmem:$0x2080] =	vst v63  }
0x9a: {  	_ =	swait.ge [sflag:s6], $0x2000  }
0x9b: {  	s22 =	sshll.u32 s22, $0x3;
	[sflag:s6] =	ssyncset.done $0x0  }
0x9c: {  	s22 =	sadd.s32 s0, s22;
	[sflag:s6] =	ssyncadd.s32 $0xFFFFE000  }
0x9d: {  	[hbm4b:s22+s2] =	stream.linear.scatter [tilespmem:s5], [sflag:$0x2], $0x2000, $0x38;
	[tilespmem:$0x2080] =	vst v63  }
0x9e: {  	s24 =	sor.u32 $0x600, s1;
	_ =	swait.ge [sflag:s3], $0x2000  }
0x9f: {  	s23 =	sshrl.u32 s24, $0x3;
	[sflag:s3] =	ssyncset.done $0x0  }
0xa0: {  	s23 =	sadd.s32 s30, s23;
	[sflag:s3] =	ssyncadd.s32 $0xFFFFE000  }
0xa1: {  	[tilespmem:s2], [sflag:$0x2] =	stream.linear.gather [hbm4b:s23+s2], $0x80, $0x38;
	[tilespmem:$0x2080] =	vst v63  }
0xa2: {  	_ =	swait.ge [sflag:s3], $0x80  }
0xa3: {  	[sflag:s3] =	ssyncset.done $0x0  }
0xa4: {  	[sflag:s3] =	ssyncadd.s32 $0xFFFFFF80  }
0xa5: {  	[tilespmem:s5], [sflag:$0x1] =	stream.indirect.gather [hbm4b:s4+s5], $0x40, s2, s5, $0xb8;
	[tilespmem:$0x2080] =	vst v63  }
0xa6: {  	_ =	swait.ge [sflag:s6], $0x2000  }
0xa7: {  	s24 =	sshll.u32 s24, $0x3;
	[sflag:s6] =	ssyncset.done $0x0  }
0xa8: {  	s24 =	sadd.s32 s0, s24;
	[sflag:s6] =	ssyncadd.s32 $0xFFFFE000  }
0xa9: {  	[hbm4b:s24+s2] =	stream.linear.scatter [tilespmem:s5], [sflag:$0x2], $0x2000, $0x38;
	[tilespmem:$0x2080] =	vst v63  }
0xaa: {  	s26 =	sor.u32 $0x680, s1;
	_ =	swait.ge [sflag:s3], $0x2000  }
0xab: {  	s25 =	sshrl.u32 s26, $0x3;
	[sflag:s3] =	ssyncset.done $0x0  }
0xac: {  	s25 =	sadd.s32 s30, s25;
	[sflag:s3] =	ssyncadd.s32 $0xFFFFE000  }
0xad: {  	[tilespmem:s2], [sflag:$0x2] =	stream.linear.gather [hbm4b:s25+s2], $0x80, $0x38;
	[tilespmem:$0x2080] =	vst v63  }
0xae: {  	_ =	swait.ge [sflag:s3], $0x80  }
0xaf: {  	[sflag:s3] =	ssyncset.done $0x0  }
0xb0: {  	[sflag:s3] =	ssyncadd.s32 $0xFFFFFF80  }
0xb1: {  	[tilespmem:s5], [sflag:$0x1] =	stream.indirect.gather [hbm4b:s4+s5], $0x40, s2, s5, $0xb8;
	[tilespmem:$0x2080] =	vst v63  }
0xb2: {  	_ =	swait.ge [sflag:s6], $0x2000  }
0xb3: {  	s26 =	sshll.u32 s26, $0x3;
	[sflag:s6] =	ssyncset.done $0x0  }
0xb4: {  	s26 =	sadd.s32 s0, s26;
	[sflag:s6] =	ssyncadd.s32 $0xFFFFE000  }
0xb5: {  	[hbm4b:s26+s2] =	stream.linear.scatter [tilespmem:s5], [sflag:$0x2], $0x2000, $0x38;
	[tilespmem:$0x2080] =	vst v63  }
0xb6: {  	s29 =	sor.u32 $0x700, s1;
	_ =	swait.ge [sflag:s3], $0x2000  }
0xb7: {  	s28 =	sshrl.u32 s29, $0x3;
	[sflag:s3] =	ssyncset.done $0x0  }
0xb8: {  	s28 =	sadd.s32 s30, s28;
	[sflag:s3] =	ssyncadd.s32 $0xFFFFE000  }
0xb9: {  	[tilespmem:s2], [sflag:$0x2] =	stream.linear.gather [hbm4b:s28+s2], $0x80, $0x38;
	[tilespmem:$0x2080] =	vst v63  }
0xba: {  	_ =	swait.ge [sflag:s3], $0x80  }
0xbb: {  	[sflag:s3] =	ssyncset.done $0x0  }
0xbc: {  	[sflag:s3] =	ssyncadd.s32 $0xFFFFFF80  }
0xbd: {  	[tilespmem:s5], [sflag:$0x1] =	stream.indirect.gather [hbm4b:s4+s5], $0x40, s2, s5, $0xb8;
	[tilespmem:$0x2080] =	vst v63  }
0xbe: {  	_ =	swait.ge [sflag:s6], $0x2000  }
0xbf: {  	s29 =	sshll.u32 s29, $0x3;
	[sflag:s6] =	ssyncset.done $0x0  }
0xc0: {  	s29 =	sadd.s32 s0, s29;
	[sflag:s6] =	ssyncadd.s32 $0xFFFFE000  }
0xc1: {  	[hbm4b:s29+s2] =	stream.linear.scatter [tilespmem:s5], [sflag:$0x2], $0x2000, $0x38;
	[tilespmem:$0x2080] =	vst v63  }
0xc2: {  	s1 =	sor.u32 $0x780, s1;
	_ =	swait.ge [sflag:s3], $0x2000  }
0xc3: {  	s31 =	sshrl.u32 s1, $0x3;
	[sflag:s3] =	ssyncset.done $0x0  }
0xc4: {  	s30 =	sadd.s32 s30, s31;
	[sflag:s3] =	ssyncadd.s32 $0xFFFFE000  }
0xc5: {  	[tilespmem:s2], [sflag:$0x2] =	stream.linear.gather [hbm4b:s30+s2], $0x80, $0x38;
	[tilespmem:$0x2080] =	vst v63  }
0xc6: {  	_ =	swait.ge [sflag:s3], $0x80  }
0xc7: {  	[sflag:s3] =	ssyncset.done $0x0;
	s0 =	rddreg [dreg:$0xb]  }
0xc8: {  	s31 =	ssub.s32 $0x2, s0;
	[sflag:s3] =	ssyncadd.s32 $0xFFFFFF80  }
0xc9: {  	[tilespmem:s5], [sflag:$0x1] =	stream.indirect.gather [hbm4b:s4+s5], $0x40, s2, s5, $0xb8;
	[tilespmem:$0x2080] =	vst v63  }
0xca: {  	s0 =	sshrl.u32 s31, $0x1  }
0xcb: {  	s0 =	ssub.s32 s31, s0  }
0xcc: {  	s0 =	smax.u32 s0, $0x1  }
0xcd: {  	p0 =	sne.s32 s0, $0x1  }
.Ltmp0:
0xce: {  	_ =	swait.ge [sflag:s6], $0x2000;
	(pc) =	sbr.rel @!p0 .LBB2_2-.Ltmp0, $4  }
0xcf: {  	s1 =	sshll.u32 s1, $0x3;
	[sflag:s6] =	ssyncset.done $0x0;
	s31 =	rddreg [dreg:$0xc]  }
0xd0: {  	s31 =	sadd.s32 s31, s1;
	[sflag:s6] =	ssyncadd.s32 $0xFFFFE000  }
0xd1: {  	[hbm4b:s31+s2] =	stream.linear.scatter [tilespmem:s5], [sflag:$0x2], $0x2000, $0x38;
	[tilespmem:$0x2080] =	vst v63  }
0xd2: {  	s0 =	sadd.s32 $0xFFFFFFFF, s0;
	_ =	swait.ge [sflag:s3], $0x2000  }
.LBB2_1:
0xd3: {  	[sflag:s3] =	ssyncset.done $0x0  }
0xd4: {  	s1 =	rddreg [dreg:$0x3];
	[sflag:s3] =	ssyncadd.s32 $0xFFFFE000  }
0xd5: {  	[tilespmem:s2], [sflag:$0x2] =	stream.linear.gather [hbm4b:s1+s2], $0x80, $0x38;
	[tilespmem:$0x2080] =	vst v63  }
0xd6: {  	_ =	swait.ge [sflag:s3], $0x80  }
0xd7: {  	[sflag:s3] =	ssyncset.done $0x0  }
0xd8: {  	[sflag:s3] =	ssyncadd.s32 $0xFFFFFF80  }
0xd9: {  	[tilespmem:s5], [sflag:$0x1] =	stream.indirect.gather [hbm4b:s4+s5], $0x40, s2, s5, $0xb8;
	[tilespmem:$0x2080] =	vst v63  }
0xda: {  	_ =	swait.ge [sflag:s6], $0x2000  }
0xdb: {  	[sflag:s6] =	ssyncset.done $0x0  }
0xdc: {  	s1 =	rddreg [dreg:$0x4];
	[sflag:s6] =	ssyncadd.s32 $0xFFFFE000  }
0xdd: {  	[hbm4b:s1+s2] =	stream.linear.scatter [tilespmem:s5], [sflag:$0x2], $0x2000, $0x38;
	[tilespmem:$0x2080] =	vst v63  }
0xde: {  	_ =	swait.ge [sflag:s3], $0x2000  }
0xdf: {  	[sflag:s3] =	ssyncset.done $0x0  }
0xe0: {  	s1 =	rddreg [dreg:$0x5];
	[sflag:s3] =	ssyncadd.s32 $0xFFFFE000  }
0xe1: {  	[tilespmem:s2], [sflag:$0x2] =	stream.linear.gather [hbm4b:s1+s2], $0x80, $0x38;
	[tilespmem:$0x2080] =	vst v63  }
0xe2: {  	_ =	swait.ge [sflag:s3], $0x80  }
0xe3: {  	[sflag:s3] =	ssyncset.done $0x0  }
0xe4: {  	[sflag:s3] =	ssyncadd.s32 $0xFFFFFF80  }
0xe5: {  	[tilespmem:s5], [sflag:$0x1] =	stream.indirect.gather [hbm4b:s4+s5], $0x40, s2, s5, $0xb8;
	[tilespmem:$0x2080] =	vst v63  }
0xe6: {  	_ =	swait.ge [sflag:s6], $0x2000  }
0xe7: {  	[sflag:s6] =	ssyncset.done $0x0  }
0xe8: {  	s1 =	rddreg [dreg:$0x6];
	[sflag:s6] =	ssyncadd.s32 $0xFFFFE000  }
0xe9: {  	[hbm4b:s1+s2] =	stream.linear.scatter [tilespmem:s5], [sflag:$0x2], $0x2000, $0x38;
	[tilespmem:$0x2080] =	vst v63  }
0xea: {  	_ =	swait.ge [sflag:s3], $0x2000  }
0xeb: {  	[sflag:s3] =	ssyncset.done $0x0  }
0xec: {  	s1 =	rddreg [dreg:$0x7];
	[sflag:s3] =	ssyncadd.s32 $0xFFFFE000  }
0xed: {  	[tilespmem:s2], [sflag:$0x2] =	stream.linear.gather [hbm4b:s1+s2], $0x80, $0x38;
	[tilespmem:$0x2080] =	vst v63  }
0xee: {  	_ =	swait.ge [sflag:s3], $0x80  }
0xef: {  	[sflag:s3] =	ssyncset.done $0x0  }
0xf0: {  	[sflag:s3] =	ssyncadd.s32 $0xFFFFFF80  }
0xf1: {  	[tilespmem:s5], [sflag:$0x1] =	stream.indirect.gather [hbm4b:s4+s5], $0x40, s2, s5, $0xb8;
	[tilespmem:$0x2080] =	vst v63  }
0xf2: {  	_ =	swait.ge [sflag:s6], $0x2000  }
0xf3: {  	[sflag:s6] =	ssyncset.done $0x0  }
0xf4: {  	s1 =	rddreg [dreg:$0x8];
	[sflag:s6] =	ssyncadd.s32 $0xFFFFE000  }
0xf5: {  	[hbm4b:s1+s2] =	stream.linear.scatter [tilespmem:s5], [sflag:$0x2], $0x2000, $0x38;
	[tilespmem:$0x2080] =	vst v63  }
0xf6: {  	_ =	swait.ge [sflag:s3], $0x2000  }
0xf7: {  	[sflag:s3] =	ssyncset.done $0x0  }
0xf8: {  	s1 =	rddreg [dreg:$0x9];
	[sflag:s3] =	ssyncadd.s32 $0xFFFFE000  }
0xf9: {  	[tilespmem:s2], [sflag:$0x2] =	stream.linear.gather [hbm4b:s1+s2], $0x80, $0x38;
	[tilespmem:$0x2080] =	vst v63  }
0xfa: {  	_ =	swait.ge [sflag:s3], $0x80  }
0xfb: {  	[sflag:s3] =	ssyncset.done $0x0  }
0xfc: {  	[sflag:s3] =	ssyncadd.s32 $0xFFFFFF80  }
0xfd: {  	[tilespmem:s5], [sflag:$0x1] =	stream.indirect.gather [hbm4b:s4+s5], $0x40, s2, s5, $0xb8;
	[tilespmem:$0x2080] =	vst v63  }
0xfe: {  	_ =	swait.ge [sflag:s6], $0x2000  }
0xff: {  	[sflag:s6] =	ssyncset.done $0x0  }
0x100: {  	s1 =	rddreg [dreg:$0xa];
	[sflag:s6] =	ssyncadd.s32 $0xFFFFE000  }
0x101: {  	[hbm4b:s1+s2] =	stream.linear.scatter [tilespmem:s5], [sflag:$0x2], $0x2000, $0x38;
	[tilespmem:$0x2080] =	vst v63  }
0x102: {  	_ =	swait.ge [sflag:s3], $0x2000  }
0x103: {  	[sflag:s3] =	ssyncset.done $0x0  }
0x104: {  	[sflag:s3] =	ssyncadd.s32 $0xFFFFE000  }
0x105: {  	[tilespmem:s2], [sflag:$0x2] =	stream.linear.gather [hbm4b:s7+s2], $0x80, $0x38;
	[tilespmem:$0x2080] =	vst v63  }
0x106: {  	_ =	swait.ge [sflag:s3], $0x80  }
0x107: {  	[sflag:s3] =	ssyncset.done $0x0  }
0x108: {  	[sflag:s3] =	ssyncadd.s32 $0xFFFFFF80  }
0x109: {  	[tilespmem:s5], [sflag:$0x1] =	stream.indirect.gather [hbm4b:s4+s5], $0x40, s2, s5, $0xb8;
	[tilespmem:$0x2080] =	vst v63  }
0x10a: {  	_ =	swait.ge [sflag:s6], $0x2000  }
0x10b: {  	[sflag:s6] =	ssyncset.done $0x0  }
0x10c: {  	[sflag:s6] =	ssyncadd.s32 $0xFFFFE000  }
0x10d: {  	[hbm4b:s8+s2] =	stream.linear.scatter [tilespmem:s5], [sflag:$0x2], $0x2000, $0x38;
	[tilespmem:$0x2080] =	vst v63  }
0x10e: {  	_ =	swait.ge [sflag:s3], $0x2000  }
0x10f: {  	[sflag:s3] =	ssyncset.done $0x0  }
0x110: {  	[sflag:s3] =	ssyncadd.s32 $0xFFFFE000  }
0x111: {  	[tilespmem:s2], [sflag:$0x2] =	stream.linear.gather [hbm4b:s9+s2], $0x80, $0x38;
	[tilespmem:$0x2080] =	vst v63  }
0x112: {  	_ =	swait.ge [sflag:s3], $0x80  }
0x113: {  	[sflag:s3] =	ssyncset.done $0x0  }
0x114: {  	[sflag:s3] =	ssyncadd.s32 $0xFFFFFF80  }
0x115: {  	[tilespmem:s5], [sflag:$0x1] =	stream.indirect.gather [hbm4b:s4+s5], $0x40, s2, s5, $0xb8;
	[tilespmem:$0x2080] =	vst v63  }
0x116: {  	_ =	swait.ge [sflag:s6], $0x2000  }
0x117: {  	[sflag:s6] =	ssyncset.done $0x0  }
0x118: {  	[sflag:s6] =	ssyncadd.s32 $0xFFFFE000  }
0x119: {  	[hbm4b:s10+s2] =	stream.linear.scatter [tilespmem:s5], [sflag:$0x2], $0x2000, $0x38;
	[tilespmem:$0x2080] =	vst v63  }
0x11a: {  	_ =	swait.ge [sflag:s3], $0x2000  }
0x11b: {  	[sflag:s3] =	ssyncset.done $0x0  }
0x11c: {  	[sflag:s3] =	ssyncadd.s32 $0xFFFFE000  }
0x11d: {  	[tilespmem:s2], [sflag:$0x2] =	stream.linear.gather [hbm4b:s11+s2], $0x80, $0x38;
	[tilespmem:$0x2080] =	vst v63  }
0x11e: {  	_ =	swait.ge [sflag:s3], $0x80  }
0x11f: {  	[sflag:s3] =	ssyncset.done $0x0  }
0x120: {  	[sflag:s3] =	ssyncadd.s32 $0xFFFFFF80  }
0x121: {  	[tilespmem:s5], [sflag:$0x1] =	stream.indirect.gather [hbm4b:s4+s5], $0x40, s2, s5, $0xb8;
	[tilespmem:$0x2080] =	vst v63  }
0x122: {  	_ =	swait.ge [sflag:s6], $0x2000  }
0x123: {  	[sflag:s6] =	ssyncset.done $0x0  }
0x124: {  	[sflag:s6] =	ssyncadd.s32 $0xFFFFE000  }
0x125: {  	[hbm4b:s12+s2] =	stream.linear.scatter [tilespmem:s5], [sflag:$0x2], $0x2000, $0x38;
	[tilespmem:$0x2080] =	vst v63  }
0x126: {  	_ =	swait.ge [sflag:s3], $0x2000  }
0x127: {  	[sflag:s3] =	ssyncset.done $0x0  }
0x128: {  	[sflag:s3] =	ssyncadd.s32 $0xFFFFE000  }
0x129: {  	[tilespmem:s2], [sflag:$0x2] =	stream.linear.gather [hbm4b:s13+s2], $0x80, $0x38;
	[tilespmem:$0x2080] =	vst v63  }
0x12a: {  	_ =	swait.ge [sflag:s3], $0x80  }
0x12b: {  	[sflag:s3] =	ssyncset.done $0x0  }
0x12c: {  	[sflag:s3] =	ssyncadd.s32 $0xFFFFFF80  }
0x12d: {  	[tilespmem:s5], [sflag:$0x1] =	stream.indirect.gather [hbm4b:s4+s5], $0x40, s2, s5, $0xb8;
	[tilespmem:$0x2080] =	vst v63  }
0x12e: {  	_ =	swait.ge [sflag:s6], $0x2000  }
0x12f: {  	[sflag:s6] =	ssyncset.done $0x0  }
0x130: {  	[sflag:s6] =	ssyncadd.s32 $0xFFFFE000  }
0x131: {  	[hbm4b:s14+s2] =	stream.linear.scatter [tilespmem:s5], [sflag:$0x2], $0x2000, $0x38;
	[tilespmem:$0x2080] =	vst v63  }
0x132: {  	_ =	swait.ge [sflag:s3], $0x2000  }
0x133: {  	[sflag:s3] =	ssyncset.done $0x0  }
0x134: {  	[sflag:s3] =	ssyncadd.s32 $0xFFFFE000  }
0x135: {  	[tilespmem:s2], [sflag:$0x2] =	stream.linear.gather [hbm4b:s15+s2], $0x80, $0x38;
	[tilespmem:$0x2080] =	vst v63  }
0x136: {  	_ =	swait.ge [sflag:s3], $0x80  }
0x137: {  	[sflag:s3] =	ssyncset.done $0x0  }
0x138: {  	[sflag:s3] =	ssyncadd.s32 $0xFFFFFF80  }
0x139: {  	[tilespmem:s5], [sflag:$0x1] =	stream.indirect.gather [hbm4b:s4+s5], $0x40, s2, s5, $0xb8;
	[tilespmem:$0x2080] =	vst v63  }
0x13a: {  	_ =	swait.ge [sflag:s6], $0x2000  }
0x13b: {  	[sflag:s6] =	ssyncset.done $0x0  }
0x13c: {  	[sflag:s6] =	ssyncadd.s32 $0xFFFFE000  }
0x13d: {  	[hbm4b:s16+s2] =	stream.linear.scatter [tilespmem:s5], [sflag:$0x2], $0x2000, $0x38;
	[tilespmem:$0x2080] =	vst v63  }
0x13e: {  	_ =	swait.ge [sflag:s3], $0x2000  }
0x13f: {  	[sflag:s3] =	ssyncset.done $0x0  }
0x140: {  	[sflag:s3] =	ssyncadd.s32 $0xFFFFE000  }
0x141: {  	[tilespmem:s2], [sflag:$0x2] =	stream.linear.gather [hbm4b:s17+s2], $0x80, $0x38;
	[tilespmem:$0x2080] =	vst v63  }
0x142: {  	_ =	swait.ge [sflag:s3], $0x80  }
0x143: {  	[sflag:s3] =	ssyncset.done $0x0  }
0x144: {  	[sflag:s3] =	ssyncadd.s32 $0xFFFFFF80  }
0x145: {  	[tilespmem:s5], [sflag:$0x1] =	stream.indirect.gather [hbm4b:s4+s5], $0x40, s2, s5, $0xb8;
	[tilespmem:$0x2080] =	vst v63  }
0x146: {  	_ =	swait.ge [sflag:s6], $0x2000  }
0x147: {  	[sflag:s6] =	ssyncset.done $0x0  }
0x148: {  	[sflag:s6] =	ssyncadd.s32 $0xFFFFE000  }
0x149: {  	[hbm4b:s18+s2] =	stream.linear.scatter [tilespmem:s5], [sflag:$0x2], $0x2000, $0x38;
	[tilespmem:$0x2080] =	vst v63  }
0x14a: {  	_ =	swait.ge [sflag:s3], $0x2000  }
0x14b: {  	[sflag:s3] =	ssyncset.done $0x0  }
0x14c: {  	[sflag:s3] =	ssyncadd.s32 $0xFFFFE000  }
0x14d: {  	[tilespmem:s2], [sflag:$0x2] =	stream.linear.gather [hbm4b:s19+s2], $0x80, $0x38;
	[tilespmem:$0x2080] =	vst v63  }
0x14e: {  	_ =	swait.ge [sflag:s3], $0x80  }
0x14f: {  	[sflag:s3] =	ssyncset.done $0x0  }
0x150: {  	[sflag:s3] =	ssyncadd.s32 $0xFFFFFF80  }
0x151: {  	[tilespmem:s5], [sflag:$0x1] =	stream.indirect.gather [hbm4b:s4+s5], $0x40, s2, s5, $0xb8;
	[tilespmem:$0x2080] =	vst v63  }
0x152: {  	_ =	swait.ge [sflag:s6], $0x2000  }
0x153: {  	[sflag:s6] =	ssyncset.done $0x0  }
0x154: {  	[sflag:s6] =	ssyncadd.s32 $0xFFFFE000  }
0x155: {  	[hbm4b:s20+s2] =	stream.linear.scatter [tilespmem:s5], [sflag:$0x2], $0x2000, $0x38;
	[tilespmem:$0x2080] =	vst v63  }
0x156: {  	_ =	swait.ge [sflag:s3], $0x2000  }
0x157: {  	[sflag:s3] =	ssyncset.done $0x0  }
0x158: {  	[sflag:s3] =	ssyncadd.s32 $0xFFFFE000  }
0x159: {  	[tilespmem:s2], [sflag:$0x2] =	stream.linear.gather [hbm4b:s21+s2], $0x80, $0x38;
	[tilespmem:$0x2080] =	vst v63  }
0x15a: {  	_ =	swait.ge [sflag:s3], $0x80  }
0x15b: {  	[sflag:s3] =	ssyncset.done $0x0  }
0x15c: {  	[sflag:s3] =	ssyncadd.s32 $0xFFFFFF80  }
0x15d: {  	[tilespmem:s5], [sflag:$0x1] =	stream.indirect.gather [hbm4b:s4+s5], $0x40, s2, s5, $0xb8;
	[tilespmem:$0x2080] =	vst v63  }
0x15e: {  	_ =	swait.ge [sflag:s6], $0x2000  }
0x15f: {  	[sflag:s6] =	ssyncset.done $0x0  }
0x160: {  	[sflag:s6] =	ssyncadd.s32 $0xFFFFE000  }
0x161: {  	[hbm4b:s22+s2] =	stream.linear.scatter [tilespmem:s5], [sflag:$0x2], $0x2000, $0x38;
	[tilespmem:$0x2080] =	vst v63  }
0x162: {  	_ =	swait.ge [sflag:s3], $0x2000  }
0x163: {  	[sflag:s3] =	ssyncset.done $0x0  }
0x164: {  	[sflag:s3] =	ssyncadd.s32 $0xFFFFE000  }
0x165: {  	[tilespmem:s2], [sflag:$0x2] =	stream.linear.gather [hbm4b:s23+s2], $0x80, $0x38;
	[tilespmem:$0x2080] =	vst v63  }
0x166: {  	_ =	swait.ge [sflag:s3], $0x80  }
0x167: {  	[sflag:s3] =	ssyncset.done $0x0  }
0x168: {  	[sflag:s3] =	ssyncadd.s32 $0xFFFFFF80  }
0x169: {  	[tilespmem:s5], [sflag:$0x1] =	stream.indirect.gather [hbm4b:s4+s5], $0x40, s2, s5, $0xb8;
	[tilespmem:$0x2080] =	vst v63  }
0x16a: {  	_ =	swait.ge [sflag:s6], $0x2000  }
0x16b: {  	[sflag:s6] =	ssyncset.done $0x0  }
0x16c: {  	[sflag:s6] =	ssyncadd.s32 $0xFFFFE000  }
0x16d: {  	[hbm4b:s24+s2] =	stream.linear.scatter [tilespmem:s5], [sflag:$0x2], $0x2000, $0x38;
	[tilespmem:$0x2080] =	vst v63  }
0x16e: {  	_ =	swait.ge [sflag:s3], $0x2000  }
0x16f: {  	[sflag:s3] =	ssyncset.done $0x0  }
0x170: {  	[sflag:s3] =	ssyncadd.s32 $0xFFFFE000  }
0x171: {  	[tilespmem:s2], [sflag:$0x2] =	stream.linear.gather [hbm4b:s25+s2], $0x80, $0x38;
	[tilespmem:$0x2080] =	vst v63  }
0x172: {  	_ =	swait.ge [sflag:s3], $0x80  }
0x173: {  	[sflag:s3] =	ssyncset.done $0x0  }
0x174: {  	[sflag:s3] =	ssyncadd.s32 $0xFFFFFF80  }
0x175: {  	[tilespmem:s5], [sflag:$0x1] =	stream.indirect.gather [hbm4b:s4+s5], $0x40, s2, s5, $0xb8;
	[tilespmem:$0x2080] =	vst v63  }
0x176: {  	_ =	swait.ge [sflag:s6], $0x2000  }
0x177: {  	[sflag:s6] =	ssyncset.done $0x0  }
0x178: {  	[sflag:s6] =	ssyncadd.s32 $0xFFFFE000  }
0x179: {  	[hbm4b:s26+s2] =	stream.linear.scatter [tilespmem:s5], [sflag:$0x2], $0x2000, $0x38;
	[tilespmem:$0x2080] =	vst v63  }
0x17a: {  	_ =	swait.ge [sflag:s3], $0x2000  }
0x17b: {  	[sflag:s3] =	ssyncset.done $0x0  }
0x17c: {  	[sflag:s3] =	ssyncadd.s32 $0xFFFFE000  }
0x17d: {  	[tilespmem:s2], [sflag:$0x2] =	stream.linear.gather [hbm4b:s28+s2], $0x80, $0x38;
	[tilespmem:$0x2080] =	vst v63  }
0x17e: {  	_ =	swait.ge [sflag:s3], $0x80  }
0x17f: {  	[sflag:s3] =	ssyncset.done $0x0  }
0x180: {  	[sflag:s3] =	ssyncadd.s32 $0xFFFFFF80  }
0x181: {  	[tilespmem:s5], [sflag:$0x1] =	stream.indirect.gather [hbm4b:s4+s5], $0x40, s2, s5, $0xb8;
	[tilespmem:$0x2080] =	vst v63  }
0x182: {  	_ =	swait.ge [sflag:s6], $0x2000  }
0x183: {  	[sflag:s6] =	ssyncset.done $0x0  }
0x184: {  	[sflag:s6] =	ssyncadd.s32 $0xFFFFE000  }
0x185: {  	[hbm4b:s29+s2] =	stream.linear.scatter [tilespmem:s5], [sflag:$0x2], $0x2000, $0x38;
	[tilespmem:$0x2080] =	vst v63  }
0x186: {  	_ =	swait.ge [sflag:s3], $0x2000  }
0x187: {  	[sflag:s3] =	ssyncset.done $0x0  }
0x188: {  	[sflag:s3] =	ssyncadd.s32 $0xFFFFE000  }
0x189: {  	[tilespmem:s2], [sflag:$0x2] =	stream.linear.gather [hbm4b:s30+s2], $0x80, $0x38;
	[tilespmem:$0x2080] =	vst v63  }
0x18a: {  	_ =	swait.ge [sflag:s3], $0x80  }
0x18b: {  	[sflag:s3] =	ssyncset.done $0x0  }
0x18c: {  	p0 =	sne.s32 s0, $0x1;
	[sflag:s3] =	ssyncadd.s32 $0xFFFFFF80  }
0x18d: {  	[tilespmem:s5], [sflag:$0x1] =	stream.indirect.gather [hbm4b:s4+s5], $0x40, s2, s5, $0xb8;
	[tilespmem:$0x2080] =	vst v63  }
.Ltmp1:
0x18e: {  	_ =	swait.ge [sflag:s6], $0x2000;
	(pc) =	sbr.rel @p0 .LBB2_1-.Ltmp1, $4  }
0x18f: {  	[sflag:s6] =	ssyncset.done $0x0  }
0x190: {  	[sflag:s6] =	ssyncadd.s32 $0xFFFFE000  }
0x191: {  	[hbm4b:s31+s2] =	stream.linear.scatter [tilespmem:s5], [sflag:$0x2], $0x2000, $0x38;
	[tilespmem:$0x2080] =	vst v63  }
0x192: {  	s0 =	sadd.s32 $0xFFFFFFFF, s0;
	_ =	swait.ge [sflag:s3], $0x2000  }
.LBB2_2:
0x193: {  	[sflag:s3] =	ssyncset.done $0x0  }
0x194: {  	[sflag:s3] =	ssyncadd.s32 $0xFFFFE000  }
0x195: {  	_ =	sfence.sel $0x180000  }
0x196: {  	[bflag:$0x0] =	sbarrier.arrive $0xFFFF  }
0x197: {  	_ =	strace $0x90000047  }
0x198: {  	s0 =	stileid.u32;
	[bflag:$0x2] =	sbarrier.arrive $0xFFFF  }
0x199: {  	p0 =	sne.s32 s0, $0x0;
	s0 =	rddreg [dreg:$0x2]  }
0x19a: {  	s0 =	sadd.s32 @!p0 $0x100000, s0  }
0x19b: {  	[sflag:s0] =	ssyncadd.tile.s32 @!p0 $0x1;
	_ =	shalt  }
.Lfunc_end2:
_tile_overlayer_lowered:
.L_overlay_start_2:
0x19c: {  	(tag) =	ssettag $0x2  }
0x19d: {  	s0 =	rddreg [dreg:$0x0];
	s2 =	stileid.u32  }
0x19e: {  	s1 =	rddreg [dreg:$0x1];
	p0 =	sne.s32 s2, $0x0  }
0x19f: {  	s3 =	rddreg [dreg:$0x2];
	[bflag:$0x3] =	sbarrier.arrive $0xFFFF;
	s2 =	simm.s32 @!p0 $0x1C02  }
0x1a0: {  	[timem:s3], [sflag:s2] =	dma.local @!p0 [hbm:s0], s1  }
0x1a1: {  	s0 =	simm.s32 @!p0 $0x2  }
0x1a2: {  	_ =	swait.ge @!p0 [sflag:s0], s1  }
0x1a3: {  	s1 =	ssub.s32 @!p0 $0x0, s1;
	[sflag:s0] =	ssyncset.done @!p0 $0x0  }
0x1a4: {  	[sflag:s0] =	ssyncadd.s32 @!p0 s1  }
0x1a5: {  	[bflag:$0x3] =	sbarrier.arrive $0xFFFF  }
0x1a6: {  	_ =	shalt  }

</sc_bundles>
